<compile_context>
chip_gen: v7x
topology: tpu7x:2x2x1
jax: 0.10.2.dev20260603
libtpu: 0.0.44.dev20260713+nightly
codegen_flags: <defaults>
</compile_context>

<pallas_src>
import jax
import jax.numpy as jnp
from jax import lax
from jax.experimental import pallas as pl
from jax.experimental.pallas import tpu as pltpu
from jax.experimental.pallas import tpu_sc as plsc

NPOINT = 512
RADIUS = 0.2
NSAMPLE = 32
EPS = 1e-5

_S_TILE = 64
_R_TILE = 4096
_GCHUNK = 128
_NW = 32


def _fps_kernel(xyzt_ref, far0_ref, cent_ref, newx_ref):
    x = xyzt_ref[:, 0, :]
    y = xyzt_ref[:, 1, :]
    z = xyzt_ref[:, 2, :]
    B, N = x.shape
    lane = jax.lax.broadcasted_iota(jnp.int32, (B, N), 1)
    scol = jax.lax.broadcasted_iota(jnp.int32, (B, NPOINT), 1)

    def body(i, state):
        dist_acc, far, cent, nx, ny, nz = state
        sel = lane == far
        cx = jnp.sum(jnp.where(sel, x, 0.0), axis=1, keepdims=True)
        cy = jnp.sum(jnp.where(sel, y, 0.0), axis=1, keepdims=True)
        cz = jnp.sum(jnp.where(sel, z, 0.0), axis=1, keepdims=True)
        hit = scol == i
        cent = jnp.where(hit, far, cent)
        nx = jnp.where(hit, cx, nx)
        ny = jnp.where(hit, cy, ny)
        nz = jnp.where(hit, cz, nz)
        d = (x - cx) ** 2 + (y - cy) ** 2 + (z - cz) ** 2
        dist_acc = jnp.where(d < dist_acc, d, dist_acc)
        m = jnp.max(dist_acc, axis=1, keepdims=True)
        far = jnp.min(jnp.where(dist_acc == m, lane, N), axis=1, keepdims=True)
        return (dist_acc, far, cent, nx, ny, nz)

    init = (
        jnp.full((B, N), 1e10, jnp.float32),
        far0_ref[:, :],
        jnp.zeros((B, NPOINT), jnp.int32),
        jnp.zeros((B, NPOINT), jnp.float32),
        jnp.zeros((B, NPOINT), jnp.float32),
        jnp.zeros((B, NPOINT), jnp.float32),
    )
    _, _, cent, nx, ny, nz = jax.lax.fori_loop(0, NPOINT, body, init)
    cent_ref[:, :] = cent
    newx_ref[:, 0, :] = nx
    newx_ref[:, 1, :] = ny
    newx_ref[:, 2, :] = nz


def _cumsum_lanes(x):
    n = x.shape[-1]
    shift = 1
    while shift < n:
        shifted = jnp.concatenate(
            [jnp.zeros(x.shape[:-1] + (shift,), x.dtype), x[..., : n - shift]],
            axis=-1,
        )
        x = x + shifted
        shift *= 2
    return x


def _group_idx_kernel(xyzt_ref, new_ref, idx_ref):
    b = pl.program_id(0)
    x = xyzt_ref[0, 0:1, :]
    y = xyzt_ref[0, 1:2, :]
    z = xyzt_ref[0, 2:3, :]
    N = x.shape[1]
    new_tile = new_ref[0]
    sx = new_tile[:, 0:1]
    sy = new_tile[:, 1:2]
    sz = new_tile[:, 2:3]
    d = (sx - x) ** 2 + (sy - y) ** 2 + (sz - z) ** 2
    mask = d <= RADIUS ** 2
    c = _cumsum_lanes(mask.astype(jnp.int32))
    count = c[:, N - 1 : N]

    kk = jax.lax.broadcasted_iota(jnp.int32, (_S_TILE, NSAMPLE), 1)
    lte = (c[:, None, :] <= kk[:, :, None]).astype(jnp.float32)
    idx = jnp.sum(lte, axis=2).astype(jnp.int32)
    idx = jnp.where(kk < count, idx, idx[:, 0:1])
    idx_ref[...] = idx + b * N


def _sc_gather_kernel(table_hbm, idx_hbm, out_hbm, idx_v, rows_v, sem):
    wid = lax.axis_index("s") * 2 + lax.axis_index("c")
    rows_per_w = out_hbm.shape[0] // _NW
    base = wid * rows_per_w

    def body(j, carry):
        off = base + j * _GCHUNK
        pltpu.sync_copy(idx_hbm.at[pl.ds(off, _GCHUNK)], idx_v)
        pltpu.async_copy(table_hbm.at[idx_v], rows_v, sem).wait()
        pltpu.sync_copy(rows_v, out_hbm.at[pl.ds(off, _GCHUNK)])
        return carry

    jax.lax.fori_loop(0, rows_per_w // _GCHUNK, body, 0)


def _prep_kernel(graw_ref, cen_ref, feat_ref, stats_ref):
    t = pl.program_id(0)
    graw = graw_ref[...]
    C = graw.shape[1]
    ng = _R_TILE // NSAMPLE
    cen = cen_ref[...]
    cenp = jnp.concatenate([cen, jnp.zeros((ng, C - 3), jnp.float32)], axis=1)
    g3 = graw.reshape(ng, NSAMPLE, C) - cenp[:, None, :]
    f = g3.reshape(_R_TILE, C)
    feat_ref[...] = f

    @pl.when(t == 0)
    def _():
        stats_ref[...] = jnp.zeros_like(stats_ref)

    s_sum = jnp.sum(f, axis=0, keepdims=True)
    gram = jax.lax.dot_general(
        f, f, (((0,), (0,)), ((), ())),
        preferred_element_type=jnp.float32,
    )
    stats_ref[0:1, :] += s_sum
    stats_ref[1:, :] += gram


def _mlp_kernel(z_ref, w_ref, b_ref, out_ref, stats_ref):
    t = pl.program_id(0)
    z = z_ref[...]
    o = jax.lax.dot_general(
        z, w_ref[...], (((1,), (1,)), ((), ())),
        preferred_element_type=jnp.float32,
    ) + b_ref[...]
    o = jnp.maximum(o, 0.0)
    out_ref[...] = o

    @pl.when(t == 0)
    def _():
        stats_ref[...] = jnp.zeros_like(stats_ref)

    s_sum = jnp.sum(o, axis=0, keepdims=True)
    gram = jax.lax.dot_general(
        o, o, (((0,), (0,)), ((), ())),
        preferred_element_type=jnp.float32,
    )
    stats_ref[0:1, :] += s_sum
    stats_ref[1:, :] += gram


def _mlp_pool_kernel(z_ref, w_ref, b_ref, out_ref):
    z = z_ref[...]
    o = jax.lax.dot_general(
        z, w_ref[...], (((1,), (1,)), ((), ())),
        preferred_element_type=jnp.float32,
    ) + b_ref[...]
    o = jnp.maximum(o, 0.0)
    R, C = o.shape
    o = o.reshape(R // NSAMPLE, NSAMPLE, C)
    out_ref[...] = jnp.max(o, axis=1)


def _bn_affine(W, bias, g, beta, s_sum, gram, P):
    ws = W @ s_sum
    mean = (ws + P * bias) / P
    q = jnp.sum((W @ gram) * W, axis=1)
    ex2 = (q + 2.0 * bias * ws + P * bias * bias) / P
    var = ex2 - mean * mean
    scale = g / jnp.sqrt(var + EPS)
    return W * scale[:, None], (bias - mean) * scale + beta


def kernel(xyz, points, conv_w0, conv_b0, bn_g0, bn_b0, conv_w1, conv_b1,
           bn_g1, bn_b1, conv_w2, conv_b2, bn_g2, bn_b2):
    B, N, _ = xyz.shape
    C = points.shape[2]
    Cin = 3 + C
    S = NPOINT
    P = B * S * NSAMPLE

    xyzt = jnp.transpose(xyz, (0, 2, 1))
    far0 = jax.random.randint(jax.random.key(1), (B, 1), 0, N, dtype=jnp.int32)

    cent, newx = pl.pallas_call(
        _fps_kernel,
        out_shape=(
            jax.ShapeDtypeStruct((B, S), jnp.int32),
            jax.ShapeDtypeStruct((B, 3, S), jnp.float32),
        ),
    )(xyzt, far0)
    new_xyz = jnp.transpose(newx, (0, 2, 1))

    gidx = pl.pallas_call(
        _group_idx_kernel,
        grid=(B, S // _S_TILE),
        in_specs=[
            pl.BlockSpec((1, 3, N), lambda b, st: (b, 0, 0)),
            pl.BlockSpec((1, _S_TILE, 3), lambda b, st: (b, st, 0)),
        ],
        out_specs=pl.BlockSpec(
            (_S_TILE, NSAMPLE), lambda b, st: (b * (S // _S_TILE) + st, 0)
        ),
        out_shape=jax.ShapeDtypeStruct((B * S, NSAMPLE), jnp.int32),
    )(xyzt, new_xyz)

    table = jnp.concatenate([xyz, points], axis=2).reshape(B * N, Cin)
    gidx_flat = gidx.reshape(P)

    mesh = plsc.VectorSubcoreMesh(core_axis_name="c", subcore_axis_name="s")
    g_raw = pl.kernel(
        _sc_gather_kernel,
        mesh=mesh,
        compiler_params=pltpu.CompilerParams(use_tc_tiling_on_sc=False),
        out_type=jax.ShapeDtypeStruct((P, Cin), jnp.float32),
        scratch_types=[
            pltpu.VMEM((_GCHUNK,), jnp.int32),
            pltpu.VMEM((_GCHUNK, Cin), jnp.float32),
            pltpu.SemaphoreType.DMA,
        ],
    )(table, gidx_flat)

    cen_all = new_xyz.reshape(B * S, 3)
    z, stats0 = pl.pallas_call(
        _prep_kernel,
        grid=(P // _R_TILE,),
        in_specs=[
            pl.BlockSpec((_R_TILE, Cin), lambda t: (t, 0)),
            pl.BlockSpec((_R_TILE // NSAMPLE, 3), lambda t: (t, 0)),
        ],
        out_specs=(
            pl.BlockSpec((_R_TILE, Cin), lambda t: (t, 0)),
            pl.BlockSpec((1 + Cin, Cin), lambda t: (0, 0)),
        ),
        out_shape=(
            jax.ShapeDtypeStruct((P, Cin), jnp.float32),
            jax.ShapeDtypeStruct((1 + Cin, Cin), jnp.float32),
        ),
    )(g_raw, cen_all)

    params = [
        (conv_w0, conv_b0, bn_g0, bn_b0),
        (conv_w1, conv_b1, bn_g1, bn_b1),
        (conv_w2, conv_b2, bn_g2, bn_b2),
    ]

    s_sum, gram = stats0[0], stats0[1:]
    for li in range(2):
        W, bias, gg, beta = params[li]
        W2, b2 = _bn_affine(W, bias, gg, beta, s_sum, gram, P)
        Cout = W2.shape[0]
        z, stats = pl.pallas_call(
            _mlp_kernel,
            grid=(P // _R_TILE,),
            in_specs=[
                pl.BlockSpec((_R_TILE, z.shape[1]), lambda t: (t, 0)),
                pl.BlockSpec((Cout, z.shape[1]), lambda t: (0, 0)),
                pl.BlockSpec((1, Cout), lambda t: (0, 0)),
            ],
            out_specs=(
                pl.BlockSpec((_R_TILE, Cout), lambda t: (t, 0)),
                pl.BlockSpec((1 + Cout, Cout), lambda t: (0, 0)),
            ),
            out_shape=(
                jax.ShapeDtypeStruct((P, Cout), jnp.float32),
                jax.ShapeDtypeStruct((1 + Cout, Cout), jnp.float32),
            ),
        )(z, W2, b2[None, :])
        s_sum, gram = stats[0], stats[1:]

    W, bias, gg, beta = params[2]
    W2, b2 = _bn_affine(W, bias, gg, beta, s_sum, gram, P)
    Cout = W2.shape[0]
    pooled = pl.pallas_call(
        _mlp_pool_kernel,
        grid=(P // _R_TILE,),
        in_specs=[
            pl.BlockSpec((_R_TILE, z.shape[1]), lambda t: (t, 0)),
            pl.BlockSpec((Cout, z.shape[1]), lambda t: (0, 0)),
            pl.BlockSpec((1, Cout), lambda t: (0, 0)),
        ],
        out_specs=pl.BlockSpec((_R_TILE // NSAMPLE, Cout), lambda t: (t, 0)),
        out_shape=jax.ShapeDtypeStruct((B * S, Cout), jnp.float32),
    )(z, W2, b2[None, :])

    new_points = pooled.reshape(B, S, Cout)
    return (new_xyz, new_points)

# --- scband reference (transcript-rebuilt; emitter-appended) ---
"""Pipeline reference for scband-point-net-set-abstraction-33621003993619 (READ-ONLY COPY).

The authoritative reference and input builder live on the scoring server;
editing this copy changes nothing except your own understanding.
"""

import jax, jax.numpy as jnp
import numpy as np

NPOINT = 512
RADIUS = 0.2
NSAMPLE = 32
EPS = 1e-5


def index_points(points, idx):
    B = points.shape[0]
    batch = jnp.arange(B).reshape((B,) + (1,) * (idx.ndim - 1))
    return points[batch, idx]


def farthest_point_sample(xyz, npoint, key):
    B, N, _ = xyz.shape
    farthest0 = jax.random.randint(key, (B,), 0, N, dtype=jnp.int32)
    centroids0 = jnp.zeros((B, npoint), dtype=jnp.int32)
    distance0 = jnp.full((B, N), 1e10, dtype=xyz.dtype)

    def body(i, state):
        centroids, distance, farthest = state
        centroids = centroids.at[:, i].set(farthest)
        centroid = jnp.take_along_axis(xyz, farthest[:, None, None], axis=1)  # [B,1,3]
        dist = jnp.sum((xyz - centroid) ** 2, axis=-1)  # [B,N]
        distance = jnp.where(dist < distance, dist, distance)
        farthest = jnp.argmax(distance, axis=-1).astype(jnp.int32)
        return (centroids, distance, farthest)

    centroids, _, _ = jax.lax.fori_loop(0, npoint, body, (centroids0, distance0, farthest0))
    return centroids


def query_ball_point(radius, nsample, xyz, new_xyz):
    B, N, _ = xyz.shape
    S = new_xyz.shape[1]
    sqrdists = jnp.sum((new_xyz[:, :, None, :] - xyz[:, None, :, :]) ** 2, axis=-1)  # [B,S,N]
    group_idx = jnp.broadcast_to(jnp.arange(N, dtype=jnp.int32), (B, S, N))
    group_idx = jnp.where(sqrdists > radius ** 2, N, group_idx)
    group_idx = jnp.sort(group_idx, axis=-1)[:, :, :nsample]
    group_first = jnp.broadcast_to(group_idx[:, :, :1], (B, S, nsample))
    group_idx = jnp.where(group_idx == N, group_first, group_idx)
    return group_idx


def setup_inputs(seed: int = 0) -> dict:
    key = jax.random.key(seed)
    ks = jax.random.split(key, 16)
    B, N, C = 8, 4096, 29
    mlp = [32, 32, 64]
    in_ch = 3 + C
    inp = {
        'xyz': jax.random.uniform(ks[0], (B, N, 3), dtype=jnp.float32),
        'points': jax.random.normal(ks[1], (B, N, C), dtype=jnp.float32),
    }
    last = in_ch
    for i, out in enumerate(mlp):
        inp[f'conv_w{i}'] = jax.random.normal(ks[2 + 2 * i], (out, last), dtype=jnp.float32) * (1.0 / np.sqrt(last))
        inp[f'conv_b{i}'] = jnp.zeros((out,), dtype=jnp.float32)
        inp[f'bn_g{i}'] = jnp.ones((out,), dtype=jnp.float32)
        inp[f'bn_b{i}'] = jnp.zeros((out,), dtype=jnp.float32)
        last = out
    return inp


def reference(xyz, points, conv_w0, conv_b0, bn_g0, bn_b0, conv_w1, conv_b1, bn_g1, bn_b1, conv_w2, conv_b2, bn_g2, bn_b2):
    B = xyz.shape[0]
    fps_idx = farthest_point_sample(xyz, NPOINT, jax.random.key(1))  # [B,S]
    new_xyz = index_points(xyz, fps_idx)  # [B,S,3]
    idx = query_ball_point(RADIUS, NSAMPLE, xyz, new_xyz)  # [B,S,ns]
    grouped_xyz = index_points(xyz, idx)  # [B,S,ns,3]
    grouped_xyz_norm = grouped_xyz - new_xyz[:, :, None, :]
    grouped_points = index_points(points, idx)  # [B,S,ns,C]
    gx = jnp.transpose(grouped_xyz_norm, (0, 3, 2, 1))  # [B,3,ns,S]
    gp = jnp.transpose(grouped_points, (0, 3, 2, 1))  # [B,C,ns,S]
    feat = jnp.concatenate([gx, gp], axis=1)  # [B,3+C,ns,S]
    params = [(conv_w0, conv_b0, bn_g0, bn_b0), (conv_w1, conv_b1, bn_g1, bn_b1), (conv_w2, conv_b2, bn_g2, bn_b2)]
    for (w, b, g, beta) in params:
        feat = jnp.einsum('oc,bcns->bons', w, feat) + b[None, :, None, None]
        mean = jnp.mean(feat, axis=(0, 2, 3), keepdims=True)
        var = jnp.var(feat, axis=(0, 2, 3), keepdims=True)
        feat = (feat - mean) / jnp.sqrt(var + EPS) * g[None, :, None, None] + beta[None, :, None, None]
        feat = jax.nn.relu(feat)
    new_points = jnp.max(feat, axis=2)  # [B,D,S]
    new_points = jnp.transpose(new_points, (0, 2, 1))  # [B,S,D]
    return (new_xyz, new_points)

if __name__ == "__main__":
    import jax
    _d = setup_inputs()
    print(jax.jit(kernel)(*tuple(_d.values())))

</pallas_src>

<mosaic_0001>
#map = affine_map<(d0, d1) -> (0, 0)>
#map1 = affine_map<(d0, d1) -> (0)>
module attributes {stable_mosaic.version = 14 : i64} {
  func.func @_sc_gather_kernel(%arg0: i32, %arg1: i32, %arg2: memref<32768x32xf32, #tpu.memory_space<hbm>>, %arg3: memref<131072xi32, #tpu.memory_space<hbm>>, %arg4: memref<131072x32xf32, #tpu.memory_space<hbm>>, %arg5: memref<128xi32, #tpu.memory_space<vmem>>, %arg6: memref<128x32xf32, #tpu.memory_space<vmem>>, %arg7: memref<!tpu.dma_semaphore, #tpu.memory_space<semaphore_mem>>) attributes {dimension_semantics = [#tpu.dimension_semantics<core_parallel>, #tpu.dimension_semantics<subcore_parallel>], iteration_bounds = array<i64: 2, 16>, scalar_prefetch = 0 : i64, scratch_operands = 3 : i64, tpu.core_type = #tpu.core_type<sc_vector_subcore>, window_params = [{transform_indices = #map}, {transform_indices = #map1}, {transform_indices = #map}]} {
    %mul3A = arith.constant 2 : i32
    %mul3A_0 = arith.muli %arg1, %mul3A : i32
    %add3A = arith.addi %mul3A_0, %arg0 : i32
    %mul3A_1 = arith.constant 4096 : i32
    %mul3A_2 = arith.muli %add3A, %mul3A_1 : i32
    %scan3A = arith.constant 0 : i32
    %scan3A_3 = arith.constant 0 : i32
    %scan3A_4 = arith.constant 32 : i32
    %scan3A_5 = arith.addi %scan3A_3, %scan3A_4 : i32
    %scan3A_6 = arith.constant 1 : i32
    scf.for %scan3A_8 = %scan3A_3 to %scan3A_5 step %scan3A_6  : i32 {
      %mul3A_9 = arith.constant 128 : i32
      %mul3A_10 = arith.muli %scan3A_8, %mul3A_9 : i32
      %add3A_11 = arith.addi %mul3A_2, %mul3A_10 : i32
      "tpu.region"() ({
        %run_scoped3A = tpu.sem_alloc : memref<!tpu.dma_semaphore, #tpu.memory_space<semaphore_mem>>
        %dma_start3A_16 = tpu.memref_slice %arg3[%add3A_11] : memref<131072xi32, #tpu.memory_space<hbm>> -> memref<128xi32, #tpu.memory_space<hbm>>
        %dma_start3A_17 = tpu.memref_slice %arg3[%add3A_11] : memref<131072xi32, #tpu.memory_space<hbm>> -> memref<128xi32, #tpu.memory_space<hbm>>
        tpu.enqueue_dma source(%dma_start3A_17 : memref<128xi32, #tpu.memory_space<hbm>>) target(%arg5 : memref<128xi32, #tpu.memory_space<vmem>>) target_semaphore(%run_scoped3A : memref<!tpu.dma_semaphore, #tpu.memory_space<semaphore_mem>>)
        %dma_wait3A_18 = tpu.memref_slice %arg3[%add3A_11] : memref<131072xi32, #tpu.memory_space<hbm>> -> memref<128xi32, #tpu.memory_space<hbm>>
        %dma_wait3A_19 = tpu.memref_slice %arg3[%add3A_11] : memref<131072xi32, #tpu.memory_space<hbm>> -> memref<128xi32, #tpu.memory_space<hbm>>
        tpu.wait_dma2 semaphore(%run_scoped3A : memref<!tpu.dma_semaphore, #tpu.memory_space<semaphore_mem>>) src(%dma_wait3A_19 : memref<128xi32, #tpu.memory_space<hbm>>) dst(%arg5 : memref<128xi32, #tpu.memory_space<vmem>>)
        tpu.yield
      }) : () -> ()
      %dma_start3A = arith.constant 0 : i32
      %dma_start3A_12 = arith.constant 0 : i32
      %dma_start3A_13 = tpu.memref_slice %arg2[%dma_start3A, %dma_start3A_12] : memref<32768x32xf32, #tpu.memory_space<hbm>> -> memref<32768x32xf32, #tpu.memory_space<hbm>>
      tpu.enqueue_indirect_dma source(%dma_start3A_13 : memref<32768x32xf32, #tpu.memory_space<hbm>>) target(%arg6 : memref<128x32xf32, #tpu.memory_space<vmem>>) offsets(%arg5 : memref<128xi32, #tpu.memory_space<vmem>>) semaphore(%arg7 : memref<!tpu.dma_semaphore, #tpu.memory_space<semaphore_mem>>)
      %dma_wait3A = arith.constant 0 : i32
      %dma_wait3A_14 = arith.constant 0 : i32
      %dma_wait3A_15 = tpu.memref_slice %arg2[%dma_wait3A, %dma_wait3A_14] : memref<32768x32xf32, #tpu.memory_space<hbm>> -> memref<32768x32xf32, #tpu.memory_space<hbm>>
      tpu.wait_indirect_dma semaphore(%arg7 : memref<!tpu.dma_semaphore, #tpu.memory_space<semaphore_mem>>) src(%dma_wait3A_15 : memref<32768x32xf32, #tpu.memory_space<hbm>>) dst(%arg6 : memref<128x32xf32, #tpu.memory_space<vmem>>)
      "tpu.region"() ({
        %run_scoped3A = tpu.sem_alloc : memref<!tpu.dma_semaphore, #tpu.memory_space<semaphore_mem>>
        %dma_start3A_16 = arith.constant 0 : i32
        %dma_start3A_17 = tpu.memref_slice %arg4[%add3A_11, %dma_start3A_16] : memref<131072x32xf32, #tpu.memory_space<hbm>> -> memref<128x32xf32, #tpu.memory_space<hbm>>
        %dma_start3A_18 = arith.constant 0 : i32
        %dma_start3A_19 = tpu.memref_slice %arg4[%add3A_11, %dma_start3A_18] : memref<131072x32xf32, #tpu.memory_space<hbm>> -> memref<128x32xf32, #tpu.memory_space<hbm>>
        tpu.enqueue_dma source(%arg6 : memref<128x32xf32, #tpu.memory_space<vmem>>) target(%dma_start3A_19 : memref<128x32xf32, #tpu.memory_space<hbm>>) target_semaphore(%run_scoped3A : memref<!tpu.dma_semaphore, #tpu.memory_space<semaphore_mem>>)
        %dma_wait3A_20 = arith.constant 0 : i32
        %dma_wait3A_21 = tpu.memref_slice %arg4[%add3A_11, %dma_wait3A_20] : memref<131072x32xf32, #tpu.memory_space<hbm>> -> memref<128x32xf32, #tpu.memory_space<hbm>>
        %dma_wait3A_22 = arith.constant 0 : i32
        %dma_wait3A_23 = tpu.memref_slice %arg4[%add3A_11, %dma_wait3A_22] : memref<131072x32xf32, #tpu.memory_space<hbm>> -> memref<128x32xf32, #tpu.memory_space<hbm>>
        tpu.wait_dma2 semaphore(%run_scoped3A : memref<!tpu.dma_semaphore, #tpu.memory_space<semaphore_mem>>) src(%arg6 : memref<128x32xf32, #tpu.memory_space<vmem>>) dst(%dma_wait3A_23 : memref<128x32xf32, #tpu.memory_space<hbm>>)
        tpu.yield
      }) : () -> ()
    }
    %scan3A_7 = arith.constant 32 : i32
    return
  }
}

module attributes {stable_mosaic.version = 14 : i64} {
  func.func @_fps_kernel(%arg0: memref<8x3x4096xf32, #tpu.memory_space<vmem>>, %arg1: memref<8x1xi32, #tpu.memory_space<vmem>>, %arg2: memref<8x512xi32, #tpu.memory_space<vmem>>, %arg3: memref<8x3x512xf32, #tpu.memory_space<vmem>>) attributes {dimension_semantics = [], scalar_prefetch = 0 : i64, scratch_operands = 0 : i64, tpu.core_type = #tpu.core_type<tc>} {
    %get3A = arith.constant 0 : index
    %get3A_0 = arith.constant 0 : index
    %get3A_1 = arith.constant 0 : index
    %get3A_2 = vector.load %arg0[%get3A, %get3A_0, %get3A_1] : memref<8x3x4096xf32, #tpu.memory_space<vmem>>, vector<8x1x4096xf32>
    %get3A_3 = vector.shape_cast %get3A_2 : vector<8x1x4096xf32> to vector<8x4096xf32>
    %get3A_4 = arith.constant 0 : index
    %get3A_5 = arith.constant 1 : index
    %get3A_6 = arith.constant 0 : index
    %get3A_7 = vector.load %arg0[%get3A_4, %get3A_5, %get3A_6] : memref<8x3x4096xf32, #tpu.memory_space<vmem>>, vector<8x1x4096xf32>
    %get3A_8 = vector.shape_cast %get3A_7 : vector<8x1x4096xf32> to vector<8x4096xf32>
    %get3A_9 = arith.constant 0 : index
    %get3A_10 = arith.constant 2 : index
    %get3A_11 = arith.constant 0 : index
    %get3A_12 = vector.load %arg0[%get3A_9, %get3A_10, %get3A_11] : memref<8x3x4096xf32, #tpu.memory_space<vmem>>, vector<8x1x4096xf32>
    %get3A_13 = vector.shape_cast %get3A_12 : vector<8x1x4096xf32> to vector<8x4096xf32>
    %iota3A = tpu.iota {dimensions = array<i32: 1>} : vector<8x4096xi32>
    %iota3A_14 = tpu.iota {dimensions = array<i32: 1>} : vector<8x512xi32>
    %broadcast_in_dim3A = arith.constant 1.000000e+10 : f32
    %broadcast_in_dim3A_15 = vector.broadcast %broadcast_in_dim3A : f32 to vector<8x4096xf32>
    %get3A_16 = arith.constant 0 : index
    %get3A_17 = arith.constant 0 : index
    %get3A_18 = vector.load %arg1[%get3A_16, %get3A_17] : memref<8x1xi32, #tpu.memory_space<vmem>>, vector<8x1xi32>
    %broadcast_in_dim3A_19 = arith.constant 0 : i32
    %broadcast_in_dim3A_20 = vector.broadcast %broadcast_in_dim3A_19 : i32 to vector<8x512xi32>
    %broadcast_in_dim3A_21 = arith.constant 0.000000e+00 : f32
    %broadcast_in_dim3A_22 = vector.broadcast %broadcast_in_dim3A_21 : f32 to vector<8x512xf32>
    %broadcast_in_dim3A_23 = arith.constant 0.000000e+00 : f32
    %broadcast_in_dim3A_24 = vector.broadcast %broadcast_in_dim3A_23 : f32 to vector<8x512xf32>
    %broadcast_in_dim3A_25 = arith.constant 0.000000e+00 : f32
    %broadcast_in_dim3A_26 = vector.broadcast %broadcast_in_dim3A_25 : f32 to vector<8x512xf32>
    %scan3A = arith.constant 0 : i32
    %scan3A_27 = arith.constant 512 : i32
    %scan3A_28 = arith.addi %scan3A, %scan3A_27 : i32
    %scan3A_29 = arith.constant 1 : i32
    %scan3A_30:6 = scf.for %scan3A_52 = %scan3A to %scan3A_28 step %scan3A_29 iter_args(%scan3A_53 = %broadcast_in_dim3A_15, %scan3A_54 = %get3A_18, %scan3A_55 = %broadcast_in_dim3A_20, %scan3A_56 = %broadcast_in_dim3A_22, %scan3A_57 = %broadcast_in_dim3A_24, %scan3A_58 = %broadcast_in_dim3A_26) -> (vector<8x4096xf32>, vector<8x1xi32>, vector<8x512xi32>, vector<8x512xf32>, vector<8x512xf32>, vector<8x512xf32>)  : i32 {
      %eq3A = vector.broadcast %scan3A_54 : vector<8x1xi32> to vector<8x4096xi32>
      %eq3A_59 = arith.cmpi eq, %iota3A, %eq3A : vector<8x4096xi32>
      %jit3A = arith.constant 0.000000e+00 : f32
      %broadcast_in_dim3A_60 = vector.broadcast %jit3A : f32 to vector<8x4096xf32>
      %select_n3A = arith.select %eq3A_59, %get3A_3, %broadcast_in_dim3A_60 : vector<8x4096xi1>, vector<8x4096xf32>
      %reduce_sum3A = arith.constant dense<0.000000e+00> : vector<8xf32>
      %reduce_sum3A_61 = vector.multi_reduction <add>, %select_n3A, %reduce_sum3A [1] : vector<8x4096xf32> to vector<8xf32>
      %broadcast_in_dim3A_62 = vector.shape_cast %reduce_sum3A_61 : vector<8xf32> to vector<8x1xf32>
      %jit3A_63 = arith.constant 0.000000e+00 : f32
      %broadcast_in_dim3A_64 = vector.broadcast %jit3A_63 : f32 to vector<8x4096xf32>
      %select_n3A_65 = arith.select %eq3A_59, %get3A_8, %broadcast_in_dim3A_64 : vector<8x4096xi1>, vector<8x4096xf32>
      %reduce_sum3A_66 = arith.constant dense<0.000000e+00> : vector<8xf32>
      %reduce_sum3A_67 = vector.multi_reduction <add>, %select_n3A_65, %reduce_sum3A_66 [1] : vector<8x4096xf32> to vector<8xf32>
      %broadcast_in_dim3A_68 = vector.shape_cast %reduce_sum3A_67 : vector<8xf32> to vector<8x1xf32>
      %jit3A_69 = arith.constant 0.000000e+00 : f32
      %broadcast_in_dim3A_70 = vector.broadcast %jit3A_69 : f32 to vector<8x4096xf32>
      %select_n3A_71 = arith.select %eq3A_59, %get3A_13, %broadcast_in_dim3A_70 : vector<8x4096xi1>, vector<8x4096xf32>
      %reduce_sum3A_72 = arith.constant dense<0.000000e+00> : vector<8xf32>
      %reduce_sum3A_73 = vector.multi_reduction <add>, %select_n3A_71, %reduce_sum3A_72 [1] : vector<8x4096xf32> to vector<8xf32>
      %broadcast_in_dim3A_74 = vector.shape_cast %reduce_sum3A_73 : vector<8xf32> to vector<8x1xf32>
      %eq3A_75 = vector.broadcast %scan3A_52 : i32 to vector<8x512xi32>
      %eq3A_76 = arith.cmpi eq, %iota3A_14, %eq3A_75 : vector<8x512xi32>
      %broadcast_in_dim3A_77 = vector.shape_cast %scan3A_54 : vector<8x1xi32> to vector<8x1xi32>
      %broadcast_in_dim3A_78 = vector.broadcast %broadcast_in_dim3A_77 : vector<8x1xi32> to vector<8x512xi32>
      %select_n3A_79 = arith.select %eq3A_76, %broadcast_in_dim3A_78, %scan3A_55 : vector<8x512xi1>, vector<8x512xi32>
      %broadcast_in_dim3A_80 = vector.shape_cast %broadcast_in_dim3A_62 : vector<8x1xf32> to vector<8x1xf32>
      %broadcast_in_dim3A_81 = vector.broadcast %broadcast_in_dim3A_80 : vector<8x1xf32> to vector<8x512xf32>
      %select_n3A_82 = arith.select %eq3A_76, %broadcast_in_dim3A_81, %scan3A_56 : vector<8x512xi1>, vector<8x512xf32>
      %broadcast_in_dim3A_83 = vector.shape_cast %broadcast_in_dim3A_68 : vector<8x1xf32> to vector<8x1xf32>
      %broadcast_in_dim3A_84 = vector.broadcast %broadcast_in_dim3A_83 : vector<8x1xf32> to vector<8x512xf32>
      %select_n3A_85 = arith.select %eq3A_76, %broadcast_in_dim3A_84, %scan3A_57 : vector<8x512xi1>, vector<8x512xf32>
      %broadcast_in_dim3A_86 = vector.shape_cast %broadcast_in_dim3A_74 : vector<8x1xf32> to vector<8x1xf32>
      %broadcast_in_dim3A_87 = vector.broadcast %broadcast_in_dim3A_86 : vector<8x1xf32> to vector<8x512xf32>
      %select_n3A_88 = arith.select %eq3A_76, %broadcast_in_dim3A_87, %scan3A_58 : vector<8x512xi1>, vector<8x512xf32>
      %sub3A = vector.broadcast %broadcast_in_dim3A_62 : vector<8x1xf32> to vector<8x4096xf32>
      %sub3A_89 = arith.subf %get3A_3, %sub3A : vector<8x4096xf32>
      %integer_pow3A = arith.mulf %sub3A_89, %sub3A_89 : vector<8x4096xf32>
      %sub3A_90 = vector.broadcast %broadcast_in_dim3A_68 : vector<8x1xf32> to vector<8x4096xf32>
      %sub3A_91 = arith.subf %get3A_8, %sub3A_90 : vector<8x4096xf32>
      %integer_pow3A_92 = arith.mulf %sub3A_91, %sub3A_91 : vector<8x4096xf32>
      %add3A = arith.addf %integer_pow3A, %integer_pow3A_92 : vector<8x4096xf32>
      %sub3A_93 = vector.broadcast %broadcast_in_dim3A_74 : vector<8x1xf32> to vector<8x4096xf32>
      %sub3A_94 = arith.subf %get3A_13, %sub3A_93 : vector<8x4096xf32>
      %integer_pow3A_95 = arith.mulf %sub3A_94, %sub3A_94 : vector<8x4096xf32>
      %add3A_96 = arith.addf %add3A, %integer_pow3A_95 : vector<8x4096xf32>
      %lt3A = arith.cmpf olt, %add3A_96, %scan3A_53 : vector<8x4096xf32>
      %select_n3A_97 = arith.select %lt3A, %add3A_96, %scan3A_53 : vector<8x4096xi1>, vector<8x4096xf32>
      %reduce_max3A = arith.constant dense<0xFF800000> : vector<8xf32>
      %reduce_max3A_98 = vector.multi_reduction <maximumf>, %select_n3A_97, %reduce_max3A [1] : vector<8x4096xf32> to vector<8xf32>
      %broadcast_in_dim3A_99 = vector.shape_cast %reduce_max3A_98 : vector<8xf32> to vector<8x1xf32>
      %eq3A_100 = vector.broadcast %broadcast_in_dim3A_99 : vector<8x1xf32> to vector<8x4096xf32>
      %eq3A_101 = arith.cmpf oeq, %select_n3A_97, %eq3A_100 : vector<8x4096xf32>
      %jit3A_102 = arith.constant 4096 : i32
      %broadcast_in_dim3A_103 = vector.broadcast %jit3A_102 : i32 to vector<8x4096xi32>
      %select_n3A_104 = arith.select %eq3A_101, %iota3A, %broadcast_in_dim3A_103 : vector<8x4096xi1>, vector<8x4096xi32>
      %reduce_min3A = arith.constant dense<2147483647> : vector<8xi32>
      %reduce_min3A_105 = vector.multi_reduction <minsi>, %select_n3A_104, %reduce_min3A [1] : vector<8x4096xi32> to vector<8xi32>
      %broadcast_in_dim3A_106 = vector.shape_cast %reduce_min3A_105 : vector<8xi32> to vector<8x1xi32>
      scf.yield %select_n3A_97, %broadcast_in_dim3A_106, %select_n3A_79, %select_n3A_82, %select_n3A_85, %select_n3A_88 : vector<8x4096xf32>, vector<8x1xi32>, vector<8x512xi32>, vector<8x512xf32>, vector<8x512xf32>, vector<8x512xf32>
    }
    %scan3A_31 = arith.constant 512 : i32
    %swap3A = arith.constant 0 : index
    %swap3A_32 = arith.constant 0 : index
    %swap3A_33 = vector.load %arg2[%swap3A, %swap3A_32] : memref<8x512xi32, #tpu.memory_space<vmem>>, vector<8x512xi32>
    tpu.vector_store %arg2[%swap3A, %swap3A_32], %scan3A_30#2 {strides = array<i32>} : memref<8x512xi32, #tpu.memory_space<vmem>>, vector<8x512xi32>,
    %swap3A_34 = arith.constant 0 : index
    %swap3A_35 = arith.constant 0 : index
    %swap3A_36 = arith.constant 0 : index
    %swap3A_37 = vector.load %arg3[%swap3A_34, %swap3A_35, %swap3A_36] : memref<8x3x512xf32, #tpu.memory_space<vmem>>, vector<8x1x512xf32>
    %swap3A_38 = vector.shape_cast %swap3A_37 : vector<8x1x512xf32> to vector<8x512xf32>
    %swap3A_39 = vector.shape_cast %scan3A_30#3 : vector<8x512xf32> to vector<8x1x512xf32>
    tpu.vector_store %arg3[%swap3A_34, %swap3A_35, %swap3A_36], %swap3A_39 {strides = array<i32>} : memref<8x3x512xf32, #tpu.memory_space<vmem>>, vector<8x1x512xf32>,
    %swap3A_40 = arith.constant 0 : index
    %swap3A_41 = arith.constant 1 : index
    %swap3A_42 = arith.constant 0 : index
    %swap3A_43 = vector.load %arg3[%swap3A_40, %swap3A_41, %swap3A_42] : memref<8x3x512xf32, #tpu.memory_space<vmem>>, vector<8x1x512xf32>
    %swap3A_44 = vector.shape_cast %swap3A_43 : vector<8x1x512xf32> to vector<8x512xf32>
    %swap3A_45 = vector.shape_cast %scan3A_30#4 : vector<8x512xf32> to vector<8x1x512xf32>
    tpu.vector_store %arg3[%swap3A_40, %swap3A_41, %swap3A_42], %swap3A_45 {strides = array<i32>} : memref<8x3x512xf32, #tpu.memory_space<vmem>>, vector<8x1x512xf32>,
    %swap3A_46 = arith.constant 0 : index
    %swap3A_47 = arith.constant 2 : index
    %swap3A_48 = arith.constant 0 : index
    %swap3A_49 = vector.load %arg3[%swap3A_46, %swap3A_47, %swap3A_48] : memref<8x3x512xf32, #tpu.memory_space<vmem>>, vector<8x1x512xf32>
    %swap3A_50 = vector.shape_cast %swap3A_49 : vector<8x1x512xf32> to vector<8x512xf32>
    %swap3A_51 = vector.shape_cast %scan3A_30#5 : vector<8x512xf32> to vector<8x1x512xf32>
    tpu.vector_store %arg3[%swap3A_46, %swap3A_47, %swap3A_48], %swap3A_51 {strides = array<i32>} : memref<8x3x512xf32, #tpu.memory_space<vmem>>, vector<8x1x512xf32>,
    return
  }
}

module attributes {stable_mosaic.version = 14 : i64} {
  func.func @_group_idx_kernel(%arg0: i32, %arg1: i32, %arg2: memref<1x3x4096xf32, #tpu.memory_space<vmem>>, %arg3: memref<1x64x3xf32, #tpu.memory_space<vmem>>, %arg4: memref<64x32xi32, #tpu.memory_space<vmem>>) attributes {dimension_semantics = [#tpu.dimension_semantics<arbitrary>, #tpu.dimension_semantics<arbitrary>], iteration_bounds = array<i64: 8, 8>, scalar_prefetch = 0 : i64, scratch_operands = 0 : i64, tpu.core_type = #tpu.core_type<tc>, window_params = [{transform_indices = @transform_0, window_bounds = array<i64: 1, 3, 4096>}, {transform_indices = @transform_1, window_bounds = array<i64: 1, 64, 3>}, {transform_indices = @transform_2, window_bounds = array<i64: 64, 32>}]} {
    %get3A = arith.constant 0 : index
    %get3A_0 = arith.constant 0 : index
    %get3A_1 = arith.constant 0 : index
    %get3A_2 = vector.load %arg2[%get3A, %get3A_0, %get3A_1] : memref<1x3x4096xf32, #tpu.memory_space<vmem>>, vector<1x1x4096xf32>
    %get3A_3 = vector.shape_cast %get3A_2 : vector<1x1x4096xf32> to vector<1x4096xf32>
    %get3A_4 = arith.constant 0 : index
    %get3A_5 = arith.constant 1 : index
    %get3A_6 = arith.constant 0 : index
    %get3A_7 = vector.load %arg2[%get3A_4, %get3A_5, %get3A_6] : memref<1x3x4096xf32, #tpu.memory_space<vmem>>, vector<1x1x4096xf32>
    %get3A_8 = vector.shape_cast %get3A_7 : vector<1x1x4096xf32> to vector<1x4096xf32>
    %get3A_9 = arith.constant 0 : index
    %get3A_10 = arith.constant 2 : index
    %get3A_11 = arith.constant 0 : index
    %get3A_12 = vector.load %arg2[%get3A_9, %get3A_10, %get3A_11] : memref<1x3x4096xf32, #tpu.memory_space<vmem>>, vector<1x1x4096xf32>
    %get3A_13 = vector.shape_cast %get3A_12 : vector<1x1x4096xf32> to vector<1x4096xf32>
    %get3A_14 = arith.constant 0 : index
    %get3A_15 = arith.constant 0 : index
    %get3A_16 = arith.constant 0 : index
    %get3A_17 = vector.load %arg3[%get3A_14, %get3A_15, %get3A_16] : memref<1x64x3xf32, #tpu.memory_space<vmem>>, vector<1x64x3xf32>
    %get3A_18 = vector.shape_cast %get3A_17 : vector<1x64x3xf32> to vector<64x3xf32>
    %slice3A = vector.extract_strided_slice %get3A_18 {offsets = [0, 0], sizes = [64, 1], strides = [1, 1]} : vector<64x3xf32> to vector<64x1xf32>
    %slice3A_19 = vector.extract_strided_slice %get3A_18 {offsets = [0, 1], sizes = [64, 1], strides = [1, 1]} : vector<64x3xf32> to vector<64x1xf32>
    %slice3A_20 = vector.extract_strided_slice %get3A_18 {offsets = [0, 2], sizes = [64, 1], strides = [1, 1]} : vector<64x3xf32> to vector<64x1xf32>
    %sub3A = vector.broadcast %slice3A : vector<64x1xf32> to vector<64x4096xf32>
    %sub3A_21 = vector.broadcast %get3A_3 : vector<1x4096xf32> to vector<64x4096xf32>
    %sub3A_22 = arith.subf %sub3A, %sub3A_21 : vector<64x4096xf32>
    %integer_pow3A = arith.mulf %sub3A_22, %sub3A_22 : vector<64x4096xf32>
    %sub3A_23 = vector.broadcast %slice3A_19 : vector<64x1xf32> to vector<64x4096xf32>
    %sub3A_24 = vector.broadcast %get3A_8 : vector<1x4096xf32> to vector<64x4096xf32>
    %sub3A_25 = arith.subf %sub3A_23, %sub3A_24 : vector<64x4096xf32>
    %integer_pow3A_26 = arith.mulf %sub3A_25, %sub3A_25 : vector<64x4096xf32>
    %add3A = arith.addf %integer_pow3A, %integer_pow3A_26 : vector<64x4096xf32>
    %sub3A_27 = vector.broadcast %slice3A_20 : vector<64x1xf32> to vector<64x4096xf32>
    %sub3A_28 = vector.broadcast %get3A_13 : vector<1x4096xf32> to vector<64x4096xf32>
    %sub3A_29 = arith.subf %sub3A_27, %sub3A_28 : vector<64x4096xf32>
    %integer_pow3A_30 = arith.mulf %sub3A_29, %sub3A_29 : vector<64x4096xf32>
    %add3A_31 = arith.addf %add3A, %integer_pow3A_30 : vector<64x4096xf32>
    %le3A = arith.constant 4.000000e-02 : f32
    %le3A_32 = vector.broadcast %le3A : f32 to vector<64x4096xf32>
    %le3A_33 = arith.cmpf ole, %add3A_31, %le3A_32 : vector<64x4096xf32>
    %convert_element_type3A = arith.extui %le3A_33 : vector<64x4096xi1> to vector<64x4096xi32>
    %broadcast_in_dim3A = arith.constant 0 : i32
    %broadcast_in_dim3A_34 = vector.broadcast %broadcast_in_dim3A : i32 to vector<64x1xi32>
    %slice3A_35 = vector.extract_strided_slice %convert_element_type3A {offsets = [0, 0], sizes = [64, 4095], strides = [1, 1]} : vector<64x4096xi32> to vector<64x4095xi32>
    %concatenate3A = tpu.concatenate %broadcast_in_dim3A_34, %slice3A_35 in 1 : vector<64x1xi32>, vector<64x4095xi32> -> vector<64x4096xi32>
    %add3A_36 = arith.addi %convert_element_type3A, %concatenate3A : vector<64x4096xi32>
    %broadcast_in_dim3A_37 = arith.constant 0 : i32
    %broadcast_in_dim3A_38 = vector.broadcast %broadcast_in_dim3A_37 : i32 to vector<64x2xi32>
    %slice3A_39 = vector.extract_strided_slice %add3A_36 {offsets = [0, 0], sizes = [64, 4094], strides = [1, 1]} : vector<64x4096xi32> to vector<64x4094xi32>
    %concatenate3A_40 = tpu.concatenate %broadcast_in_dim3A_38, %slice3A_39 in 1 : vector<64x2xi32>, vector<64x4094xi32> -> vector<64x4096xi32>
    %add3A_41 = arith.addi %add3A_36, %concatenate3A_40 : vector<64x4096xi32>
    %broadcast_in_dim3A_42 = arith.constant 0 : i32
    %broadcast_in_dim3A_43 = vector.broadcast %broadcast_in_dim3A_42 : i32 to vector<64x4xi32>
    %slice3A_44 = vector.extract_strided_slice %add3A_41 {offsets = [0, 0], sizes = [64, 4092], strides = [1, 1]} : vector<64x4096xi32> to vector<64x4092xi32>
    %concatenate3A_45 = tpu.concatenate %broadcast_in_dim3A_43, %slice3A_44 in 1 : vector<64x4xi32>, vector<64x4092xi32> -> vector<64x4096xi32>
    %add3A_46 = arith.addi %add3A_41, %concatenate3A_45 : vector<64x4096xi32>
    %broadcast_in_dim3A_47 = arith.constant 0 : i32
    %broadcast_in_dim3A_48 = vector.broadcast %broadcast_in_dim3A_47 : i32 to vector<64x8xi32>
    %slice3A_49 = vector.extract_strided_slice %add3A_46 {offsets = [0, 0], sizes = [64, 4088], strides = [1, 1]} : vector<64x4096xi32> to vector<64x4088xi32>
    %concatenate3A_50 = tpu.concatenate %broadcast_in_dim3A_48, %slice3A_49 in 1 : vector<64x8xi32>, vector<64x4088xi32> -> vector<64x4096xi32>
    %add3A_51 = arith.addi %add3A_46, %concatenate3A_50 : vector<64x4096xi32>
    %broadcast_in_dim3A_52 = arith.constant 0 : i32
    %broadcast_in_dim3A_53 = vector.broadcast %broadcast_in_dim3A_52 : i32 to vector<64x16xi32>
    %slice3A_54 = vector.extract_strided_slice %add3A_51 {offsets = [0, 0], sizes = [64, 4080], strides = [1, 1]} : vector<64x4096xi32> to vector<64x4080xi32>
    %concatenate3A_55 = tpu.concatenate %broadcast_in_dim3A_53, %slice3A_54 in 1 : vector<64x16xi32>, vector<64x4080xi32> -> vector<64x4096xi32>
    %add3A_56 = arith.addi %add3A_51, %concatenate3A_55 : vector<64x4096xi32>
    %broadcast_in_dim3A_57 = arith.constant 0 : i32
    %broadcast_in_dim3A_58 = vector.broadcast %broadcast_in_dim3A_57 : i32 to vector<64x32xi32>
    %slice3A_59 = vector.extract_strided_slice %add3A_56 {offsets = [0, 0], sizes = [64, 4064], strides = [1, 1]} : vector<64x4096xi32> to vector<64x4064xi32>
    %concatenate3A_60 = tpu.concatenate %broadcast_in_dim3A_58, %slice3A_59 in 1 : vector<64x32xi32>, vector<64x4064xi32> -> vector<64x4096xi32>
    %add3A_61 = arith.addi %add3A_56, %concatenate3A_60 : vector<64x4096xi32>
    %broadcast_in_dim3A_62 = arith.constant 0 : i32
    %broadcast_in_dim3A_63 = vector.broadcast %broadcast_in_dim3A_62 : i32 to vector<64x64xi32>
    %slice3A_64 = vector.extract_strided_slice %add3A_61 {offsets = [0, 0], sizes = [64, 4032], strides = [1, 1]} : vector<64x4096xi32> to vector<64x4032xi32>
    %concatenate3A_65 = tpu.concatenate %broadcast_in_dim3A_63, %slice3A_64 in 1 : vector<64x64xi32>, vector<64x4032xi32> -> vector<64x4096xi32>
    %add3A_66 = arith.addi %add3A_61, %concatenate3A_65 : vector<64x4096xi32>
    %broadcast_in_dim3A_67 = arith.constant 0 : i32
    %broadcast_in_dim3A_68 = vector.broadcast %broadcast_in_dim3A_67 : i32 to vector<64x128xi32>
    %slice3A_69 = vector.extract_strided_slice %add3A_66 {offsets = [0, 0], sizes = [64, 3968], strides = [1, 1]} : vector<64x4096xi32> to vector<64x3968xi32>
    %concatenate3A_70 = tpu.concatenate %broadcast_in_dim3A_68, %slice3A_69 in 1 : vector<64x128xi32>, vector<64x3968xi32> -> vector<64x4096xi32>
    %add3A_71 = arith.addi %add3A_66, %concatenate3A_70 : vector<64x4096xi32>
    %broadcast_in_dim3A_72 = arith.constant 0 : i32
    %broadcast_in_dim3A_73 = vector.broadcast %broadcast_in_dim3A_72 : i32 to vector<64x256xi32>
    %slice3A_74 = vector.extract_strided_slice %add3A_71 {offsets = [0, 0], sizes = [64, 3840], strides = [1, 1]} : vector<64x4096xi32> to vector<64x3840xi32>
    %concatenate3A_75 = tpu.concatenate %broadcast_in_dim3A_73, %slice3A_74 in 1 : vector<64x256xi32>, vector<64x3840xi32> -> vector<64x4096xi32>
    %add3A_76 = arith.addi %add3A_71, %concatenate3A_75 : vector<64x4096xi32>
    %broadcast_in_dim3A_77 = arith.constant 0 : i32
    %broadcast_in_dim3A_78 = vector.broadcast %broadcast_in_dim3A_77 : i32 to vector<64x512xi32>
    %slice3A_79 = vector.extract_strided_slice %add3A_76 {offsets = [0, 0], sizes = [64, 3584], strides = [1, 1]} : vector<64x4096xi32> to vector<64x3584xi32>
    %concatenate3A_80 = tpu.concatenate %broadcast_in_dim3A_78, %slice3A_79 in 1 : vector<64x512xi32>, vector<64x3584xi32> -> vector<64x4096xi32>
    %add3A_81 = arith.addi %add3A_76, %concatenate3A_80 : vector<64x4096xi32>
    %broadcast_in_dim3A_82 = arith.constant 0 : i32
    %broadcast_in_dim3A_83 = vector.broadcast %broadcast_in_dim3A_82 : i32 to vector<64x1024xi32>
    %slice3A_84 = vector.extract_strided_slice %add3A_81 {offsets = [0, 0], sizes = [64, 3072], strides = [1, 1]} : vector<64x4096xi32> to vector<64x3072xi32>
    %concatenate3A_85 = tpu.concatenate %broadcast_in_dim3A_83, %slice3A_84 in 1 : vector<64x1024xi32>, vector<64x3072xi32> -> vector<64x4096xi32>
    %add3A_86 = arith.addi %add3A_81, %concatenate3A_85 : vector<64x4096xi32>
    %broadcast_in_dim3A_87 = arith.constant 0 : i32
    %broadcast_in_dim3A_88 = vector.broadcast %broadcast_in_dim3A_87 : i32 to vector<64x2048xi32>
    %slice3A_89 = vector.extract_strided_slice %add3A_86 {offsets = [0, 0], sizes = [64, 2048], strides = [1, 1]} : vector<64x4096xi32> to vector<64x2048xi32>
    %concatenate3A_90 = tpu.concatenate %broadcast_in_dim3A_88, %slice3A_89 in 1 : vector<64x2048xi32>, vector<64x2048xi32> -> vector<64x4096xi32>
    %add3A_91 = arith.addi %add3A_86, %concatenate3A_90 : vector<64x4096xi32>
    %slice3A_92 = vector.extract_strided_slice %add3A_91 {offsets = [0, 4095], sizes = [64, 1], strides = [1, 1]} : vector<64x4096xi32> to vector<64x1xi32>
    %iota3A = tpu.iota {dimensions = array<i32: 1>} : vector<64x32xi32>
    %broadcast_in_dim3A_93 = vector.shape_cast %add3A_91 : vector<64x4096xi32> to vector<64x1x4096xi32>
    %broadcast_in_dim3A_94 = vector.shape_cast %iota3A : vector<64x32xi32> to vector<64x32x1xi32>
    %le3A_95 = vector.broadcast %broadcast_in_dim3A_93 : vector<64x1x4096xi32> to vector<64x32x4096xi32>
    %le3A_96 = vector.broadcast %broadcast_in_dim3A_94 : vector<64x32x1xi32> to vector<64x32x4096xi32>
    %le3A_97 = arith.cmpi sle, %le3A_95, %le3A_96 : vector<64x32x4096xi32>
    %convert_element_type3A_98 = arith.extui %le3A_97 : vector<64x32x4096xi1> to vector<64x32x4096xi32>
    %convert_element_type3A_99 = arith.sitofp %convert_element_type3A_98 : vector<64x32x4096xi32> to vector<64x32x4096xf32>
    %reduce_sum3A = arith.constant dense<0.000000e+00> : vector<64x32xf32>
    %reduce_sum3A_100 = vector.multi_reduction <add>, %convert_element_type3A_99, %reduce_sum3A [2] : vector<64x32x4096xf32> to vector<64x32xf32>
    %convert_element_type3A_101 = arith.fptosi %reduce_sum3A_100 : vector<64x32xf32> to vector<64x32xi32>
    %lt3A = vector.broadcast %slice3A_92 : vector<64x1xi32> to vector<64x32xi32>
    %lt3A_102 = arith.cmpi slt, %iota3A, %lt3A : vector<64x32xi32>
    %slice3A_103 = vector.extract_strided_slice %convert_element_type3A_101 {offsets = [0, 0], sizes = [64, 1], strides = [1, 1]} : vector<64x32xi32> to vector<64x1xi32>
    %broadcast_in_dim3A_104 = vector.shape_cast %slice3A_103 : vector<64x1xi32> to vector<64x1xi32>
    %broadcast_in_dim3A_105 = vector.broadcast %broadcast_in_dim3A_104 : vector<64x1xi32> to vector<64x32xi32>
    %select_n3A = arith.select %lt3A_102, %convert_element_type3A_101, %broadcast_in_dim3A_105 : vector<64x32xi1>, vector<64x32xi32>
    %mul3A = arith.constant 4096 : i32
    %mul3A_106 = arith.muli %arg0, %mul3A : i32
    %add3A_107 = vector.broadcast %mul3A_106 : i32 to vector<64x32xi32>
    %add3A_108 = arith.addi %select_n3A, %add3A_107 : vector<64x32xi32>
    %swap3A = arith.constant 0 : index
    %swap3A_109 = arith.constant 0 : index
    %swap3A_110 = vector.load %arg4[%swap3A, %swap3A_109] : memref<64x32xi32, #tpu.memory_space<vmem>>, vector<64x32xi32>
    tpu.vector_store %arg4[%swap3A, %swap3A_109], %add3A_108 {strides = array<i32>} : memref<64x32xi32, #tpu.memory_space<vmem>>, vector<64x32xi32>,
    return
  }
  func.func @transform_0(%arg0: i32, %arg1: i32) -> (i32, i32, i32) {
    %c0_i32 = arith.constant 0 : i32
    %c0_i32_0 = arith.constant 0 : i32
    %c0_i32_1 = arith.constant 0 : i32
    return %arg0, %c0_i32, %c0_i32_0 : i32, i32, i32
  }
  func.func @transform_1(%arg0: i32, %arg1: i32) -> (i32, i32, i32) {
    %c0_i32 = arith.constant 0 : i32
    %c0_i32_0 = arith.constant 0 : i32
    return %arg0, %arg1, %c0_i32 : i32, i32, i32
  }
  func.func @transform_2(%arg0: i32, %arg1: i32) -> (i32, i32) {
    %mul3A = arith.constant 8 : i32
    %mul3A_0 = arith.muli %arg0, %mul3A : i32
    %add3A = arith.addi %mul3A_0, %arg1 : i32
    %c0_i32 = arith.constant 0 : i32
    %c0_i32_1 = arith.constant 0 : i32
    return %add3A, %c0_i32 : i32, i32
  }
}

module attributes {stable_mosaic.version = 14 : i64} {
  func.func @_prep_kernel(%arg0: i32, %arg1: memref<4096x32xf32, #tpu.memory_space<vmem>>, %arg2: memref<128x3xf32, #tpu.memory_space<vmem>>, %arg3: memref<4096x32xf32, #tpu.memory_space<vmem>>, %arg4: memref<33x32xf32, #tpu.memory_space<vmem>>) attributes {dimension_semantics = [#tpu.dimension_semantics<arbitrary>], iteration_bounds = array<i64: 32>, scalar_prefetch = 0 : i64, scratch_operands = 0 : i64, tpu.core_type = #tpu.core_type<tc>, window_params = [{transform_indices = @transform_0, window_bounds = array<i64: 4096, 32>}, {transform_indices = @transform_1, window_bounds = array<i64: 128, 3>}, {transform_indices = @transform_2, window_bounds = array<i64: 4096, 32>}, {pipeline_mode = #tpu.pipeline_mode<synchronous>, transform_indices = @transform_3, window_bounds = array<i64: 33, 32>}]} {
    %get3A = arith.constant 0 : index
    %get3A_0 = arith.constant 0 : index
    %get3A_1 = vector.load %arg1[%get3A, %get3A_0] : memref<4096x32xf32, #tpu.memory_space<vmem>>, vector<4096x32xf32>
    %get3A_2 = arith.constant 0 : index
    %get3A_3 = arith.constant 0 : index
    %get3A_4 = vector.load %arg2[%get3A_2, %get3A_3] : memref<128x3xf32, #tpu.memory_space<vmem>>, vector<128x3xf32>
    %broadcast_in_dim3A = arith.constant 0.000000e+00 : f32
    %broadcast_in_dim3A_5 = vector.broadcast %broadcast_in_dim3A : f32 to vector<128x29xf32>
    %concatenate3A = tpu.concatenate %get3A_4, %broadcast_in_dim3A_5 in 1 : vector<128x3xf32>, vector<128x29xf32> -> vector<128x32xf32>
    %reshape3A = vector.shape_cast %get3A_1 : vector<4096x32xf32> to vector<128x32x32xf32>
    %broadcast_in_dim3A_6 = vector.shape_cast %concatenate3A : vector<128x32xf32> to vector<128x1x32xf32>
    %sub3A = vector.broadcast %broadcast_in_dim3A_6 : vector<128x1x32xf32> to vector<128x32x32xf32>
    %sub3A_7 = arith.subf %reshape3A, %sub3A : vector<128x32x32xf32>
    %reshape3A_8 = vector.shape_cast %sub3A_7 : vector<128x32x32xf32> to vector<4096x32xf32>
    %swap3A = arith.constant 0 : index
    %swap3A_9 = arith.constant 0 : index
    %swap3A_10 = vector.load %arg3[%swap3A, %swap3A_9] : memref<4096x32xf32, #tpu.memory_space<vmem>>, vector<4096x32xf32>
    tpu.vector_store %arg3[%swap3A, %swap3A_9], %reshape3A_8 {strides = array<i32>} : memref<4096x32xf32, #tpu.memory_space<vmem>>, vector<4096x32xf32>,
    %eq3A = arith.constant 0 : i32
    %eq3A_11 = arith.cmpi eq, %arg0, %eq3A : i32
    %convert_element_type3A = arith.extui %eq3A_11 : i1 to i32
    %cond3A = arith.constant 0 : i32
    %cond3A_12 = arith.cmpi ne, %convert_element_type3A, %cond3A : i32
    scf.if %cond3A_12 {
      %broadcast_in_dim3A_29 = arith.constant 0.000000e+00 : f32
      %broadcast_in_dim3A_30 = vector.broadcast %broadcast_in_dim3A_29 : f32 to vector<33x32xf32>
      %swap3A_31 = arith.constant 0 : index
      %swap3A_32 = arith.constant 0 : index
      %swap3A_33 = vector.load %arg4[%swap3A_31, %swap3A_32] : memref<33x32xf32, #tpu.memory_space<vmem>>, vector<33x32xf32>
      tpu.vector_store %arg4[%swap3A_31, %swap3A_32], %broadcast_in_dim3A_30 {strides = array<i32>} : memref<33x32xf32, #tpu.memory_space<vmem>>, vector<33x32xf32>,
    } else {
    }
    %reduce_sum3A = arith.constant dense<0.000000e+00> : vector<32xf32>
    %reduce_sum3A_13 = vector.multi_reduction <add>, %reshape3A_8, %reduce_sum3A [0] : vector<4096x32xf32> to vector<32xf32>
    %broadcast_in_dim3A_14 = vector.shape_cast %reduce_sum3A_13 : vector<32xf32> to vector<1x32xf32>
    %dot_general3A = arith.constant dense<0.000000e+00> : vector<32x32xf32>
    %dot_general3A_15 = tpu.matmul %reshape3A_8, %reshape3A_8, %dot_general3A {dimension_numbers = #tpu.dot_dimension_numbers<[0], [0], [1], [1], [0, 1, 1, 1], [], []>, transpose_lhs_hint = false} : vector<4096x32xf32>, vector<4096x32xf32>, vector<32x32xf32> -> vector<32x32xf32>
    %get3A_16 = arith.constant 0 : index
    %get3A_17 = arith.constant 0 : index
    %get3A_18 = vector.load %arg4[%get3A_16, %get3A_17] : memref<33x32xf32, #tpu.memory_space<vmem>>, vector<1x32xf32>
    %add3A = arith.addf %get3A_18, %broadcast_in_dim3A_14 : vector<1x32xf32>
    %swap3A_19 = arith.constant 0 : index
    %swap3A_20 = arith.constant 0 : index
    %swap3A_21 = vector.load %arg4[%swap3A_19, %swap3A_20] : memref<33x32xf32, #tpu.memory_space<vmem>>, vector<1x32xf32>
    tpu.vector_store %arg4[%swap3A_19, %swap3A_20], %add3A {strides = array<i32>} : memref<33x32xf32, #tpu.memory_space<vmem>>, vector<1x32xf32>,
    %get3A_22 = arith.constant 1 : index
    %get3A_23 = arith.constant 0 : index
    %get3A_24 = vector.load %arg4[%get3A_22, %get3A_23] : memref<33x32xf32, #tpu.memory_space<vmem>>, vector<32x32xf32>
    %add3A_25 = arith.addf %get3A_24, %dot_general3A_15 : vector<32x32xf32>
    %swap3A_26 = arith.constant 1 : index
    %swap3A_27 = arith.constant 0 : index
    %swap3A_28 = vector.load %arg4[%swap3A_26, %swap3A_27] : memref<33x32xf32, #tpu.memory_space<vmem>>, vector<32x32xf32>
    tpu.vector_store %arg4[%swap3A_26, %swap3A_27], %add3A_25 {strides = array<i32>} : memref<33x32xf32, #tpu.memory_space<vmem>>, vector<32x32xf32>,
    return
  }
  func.func @transform_0(%arg0: i32) -> (i32, i32) {
    %c0_i32 = arith.constant 0 : i32
    %c0_i32_0 = arith.constant 0 : i32
    return %arg0, %c0_i32 : i32, i32
  }
  func.func @transform_1(%arg0: i32) -> (i32, i32) {
    %c0_i32 = arith.constant 0 : i32
    %c0_i32_0 = arith.constant 0 : i32
    return %arg0, %c0_i32 : i32, i32
  }
  func.func @transform_2(%arg0: i32) -> (i32, i32) {
    %c0_i32 = arith.constant 0 : i32
    %c0_i32_0 = arith.constant 0 : i32
    return %arg0, %c0_i32 : i32, i32
  }
  func.func @transform_3(%arg0: i32) -> (i32, i32) {
    %c0_i32 = arith.constant 0 : i32
    %c0_i32_0 = arith.constant 0 : i32
    %c0_i32_1 = arith.constant 0 : i32
    return %c0_i32, %c0_i32_0 : i32, i32
  }
}

module attributes {stable_mosaic.version = 14 : i64} {
  func.func @_mlp_kernel(%arg0: i32, %arg1: memref<4096x32xf32, #tpu.memory_space<vmem>>, %arg2: memref<32x32xf32, #tpu.memory_space<vmem>>, %arg3: memref<1x32xf32, #tpu.memory_space<vmem>>, %arg4: memref<4096x32xf32, #tpu.memory_space<vmem>>, %arg5: memref<33x32xf32, #tpu.memory_space<vmem>>) attributes {dimension_semantics = [#tpu.dimension_semantics<arbitrary>], iteration_bounds = array<i64: 32>, scalar_prefetch = 0 : i64, scratch_operands = 0 : i64, tpu.core_type = #tpu.core_type<tc>, window_params = [{transform_indices = @transform_0, window_bounds = array<i64: 4096, 32>}, {pipeline_mode = #tpu.pipeline_mode<synchronous>, transform_indices = @transform_1, window_bounds = array<i64: 32, 32>}, {pipeline_mode = #tpu.pipeline_mode<synchronous>, transform_indices = @transform_2, window_bounds = array<i64: 1, 32>}, {transform_indices = @transform_3, window_bounds = array<i64: 4096, 32>}, {pipeline_mode = #tpu.pipeline_mode<synchronous>, transform_indices = @transform_4, window_bounds = array<i64: 33, 32>}]} {
    %get3A = arith.constant 0 : index
    %get3A_0 = arith.constant 0 : index
    %get3A_1 = vector.load %arg1[%get3A, %get3A_0] : memref<4096x32xf32, #tpu.memory_space<vmem>>, vector<4096x32xf32>
    %get3A_2 = arith.constant 0 : index
    %get3A_3 = arith.constant 0 : index
    %get3A_4 = vector.load %arg2[%get3A_2, %get3A_3] : memref<32x32xf32, #tpu.memory_space<vmem>>, vector<32x32xf32>
    %dot_general3A = arith.constant dense<0.000000e+00> : vector<4096x32xf32>
    %dot_general3A_5 = tpu.matmul %get3A_1, %get3A_4, %dot_general3A {dimension_numbers = #tpu.dot_dimension_numbers<[1], [1], [0], [0], [0, 0, 1, 0], [], []>, transpose_lhs_hint = false} : vector<4096x32xf32>, vector<32x32xf32>, vector<4096x32xf32> -> vector<4096x32xf32>
    %get3A_6 = arith.constant 0 : index
    %get3A_7 = arith.constant 0 : index
    %get3A_8 = vector.load %arg3[%get3A_6, %get3A_7] : memref<1x32xf32, #tpu.memory_space<vmem>>, vector<1x32xf32>
    %add3A = vector.broadcast %get3A_8 : vector<1x32xf32> to vector<4096x32xf32>
    %add3A_9 = arith.addf %dot_general3A_5, %add3A : vector<4096x32xf32>
    %max3A = arith.constant 0.000000e+00 : f32
    %max3A_10 = vector.broadcast %max3A : f32 to vector<4096x32xf32>
    %max3A_11 = arith.maximumf %add3A_9, %max3A_10 : vector<4096x32xf32>
    %swap3A = arith.constant 0 : index
    %swap3A_12 = arith.constant 0 : index
    %swap3A_13 = vector.load %arg4[%swap3A, %swap3A_12] : memref<4096x32xf32, #tpu.memory_space<vmem>>, vector<4096x32xf32>
    tpu.vector_store %arg4[%swap3A, %swap3A_12], %max3A_11 {strides = array<i32>} : memref<4096x32xf32, #tpu.memory_space<vmem>>, vector<4096x32xf32>,
    %eq3A = arith.constant 0 : i32
    %eq3A_14 = arith.cmpi eq, %arg0, %eq3A : i32
    %convert_element_type3A = arith.extui %eq3A_14 : i1 to i32
    %cond3A = arith.constant 0 : i32
    %cond3A_15 = arith.cmpi ne, %convert_element_type3A, %cond3A : i32
    scf.if %cond3A_15 {
      %broadcast_in_dim3A_33 = arith.constant 0.000000e+00 : f32
      %broadcast_in_dim3A_34 = vector.broadcast %broadcast_in_dim3A_33 : f32 to vector<33x32xf32>
      %swap3A_35 = arith.constant 0 : index
      %swap3A_36 = arith.constant 0 : index
      %swap3A_37 = vector.load %arg5[%swap3A_35, %swap3A_36] : memref<33x32xf32, #tpu.memory_space<vmem>>, vector<33x32xf32>
      tpu.vector_store %arg5[%swap3A_35, %swap3A_36], %broadcast_in_dim3A_34 {strides = array<i32>} : memref<33x32xf32, #tpu.memory_space<vmem>>, vector<33x32xf32>,
    } else {
    }
    %reduce_sum3A = arith.constant dense<0.000000e+00> : vector<32xf32>
    %reduce_sum3A_16 = vector.multi_reduction <add>, %max3A_11, %reduce_sum3A [0] : vector<4096x32xf32> to vector<32xf32>
    %broadcast_in_dim3A = vector.shape_cast %reduce_sum3A_16 : vector<32xf32> to vector<1x32xf32>
    %dot_general3A_17 = arith.constant dense<0.000000e+00> : vector<32x32xf32>
    %dot_general3A_18 = tpu.matmul %max3A_11, %max3A_11, %dot_general3A_17 {dimension_numbers = #tpu.dot_dimension_numbers<[0], [0], [1], [1], [0, 1, 1, 1], [], []>, transpose_lhs_hint = false} : vector<4096x32xf32>, vector<4096x32xf32>, vector<32x32xf32> -> vector<32x32xf32>
    %get3A_19 = arith.constant 0 : index
    %get3A_20 = arith.constant 0 : index
    %get3A_21 = vector.load %arg5[%get3A_19, %get3A_20] : memref<33x32xf32, #tpu.memory_space<vmem>>, vector<1x32xf32>
    %add3A_22 = arith.addf %get3A_21, %broadcast_in_dim3A : vector<1x32xf32>
    %swap3A_23 = arith.constant 0 : index
    %swap3A_24 = arith.constant 0 : index
    %swap3A_25 = vector.load %arg5[%swap3A_23, %swap3A_24] : memref<33x32xf32, #tpu.memory_space<vmem>>, vector<1x32xf32>
    tpu.vector_store %arg5[%swap3A_23, %swap3A_24], %add3A_22 {strides = array<i32>} : memref<33x32xf32, #tpu.memory_space<vmem>>, vector<1x32xf32>,
    %get3A_26 = arith.constant 1 : index
    %get3A_27 = arith.constant 0 : index
    %get3A_28 = vector.load %arg5[%get3A_26, %get3A_27] : memref<33x32xf32, #tpu.memory_space<vmem>>, vector<32x32xf32>
    %add3A_29 = arith.addf %get3A_28, %dot_general3A_18 : vector<32x32xf32>
    %swap3A_30 = arith.constant 1 : index
    %swap3A_31 = arith.constant 0 : index
    %swap3A_32 = vector.load %arg5[%swap3A_30, %swap3A_31] : memref<33x32xf32, #tpu.memory_space<vmem>>, vector<32x32xf32>
    tpu.vector_store %arg5[%swap3A_30, %swap3A_31], %add3A_29 {strides = array<i32>} : memref<33x32xf32, #tpu.memory_space<vmem>>, vector<32x32xf32>,
    return
  }
  func.func @transform_0(%arg0: i32) -> (i32, i32) {
    %c0_i32 = arith.constant 0 : i32
    %c0_i32_0 = arith.constant 0 : i32
    return %arg0, %c0_i32 : i32, i32
  }
  func.func @transform_1(%arg0: i32) -> (i32, i32) {
    %c0_i32 = arith.constant 0 : i32
    %c0_i32_0 = arith.constant 0 : i32
    %c0_i32_1 = arith.constant 0 : i32
    return %c0_i32, %c0_i32_0 : i32, i32
  }
  func.func @transform_2(%arg0: i32) -> (i32, i32) {
    %c0_i32 = arith.constant 0 : i32
    %c0_i32_0 = arith.constant 0 : i32
    %c0_i32_1 = arith.constant 0 : i32
    return %c0_i32, %c0_i32_0 : i32, i32
  }
  func.func @transform_3(%arg0: i32) -> (i32, i32) {
    %c0_i32 = arith.constant 0 : i32
    %c0_i32_0 = arith.constant 0 : i32
    return %arg0, %c0_i32 : i32, i32
  }
  func.func @transform_4(%arg0: i32) -> (i32, i32) {
    %c0_i32 = arith.constant 0 : i32
    %c0_i32_0 = arith.constant 0 : i32
    %c0_i32_1 = arith.constant 0 : i32
    return %c0_i32, %c0_i32_0 : i32, i32
  }
}

module attributes {stable_mosaic.version = 14 : i64} {
  func.func @_mlp_pool_kernel(%arg0: i32, %arg1: memref<4096x32xf32, #tpu.memory_space<vmem>>, %arg2: memref<64x32xf32, #tpu.memory_space<vmem>>, %arg3: memref<1x64xf32, #tpu.memory_space<vmem>>, %arg4: memref<128x64xf32, #tpu.memory_space<vmem>>) attributes {dimension_semantics = [#tpu.dimension_semantics<arbitrary>], iteration_bounds = array<i64: 32>, scalar_prefetch = 0 : i64, scratch_operands = 0 : i64, tpu.core_type = #tpu.core_type<tc>, window_params = [{transform_indices = @transform_0, window_bounds = array<i64: 4096, 32>}, {pipeline_mode = #tpu.pipeline_mode<synchronous>, transform_indices = @transform_1, window_bounds = array<i64: 64, 32>}, {pipeline_mode = #tpu.pipeline_mode<synchronous>, transform_indices = @transform_2, window_bounds = array<i64: 1, 64>}, {transform_indices = @transform_3, window_bounds = array<i64: 128, 64>}]} {
    %get3A = arith.constant 0 : index
    %get3A_0 = arith.constant 0 : index
    %get3A_1 = vector.load %arg1[%get3A, %get3A_0] : memref<4096x32xf32, #tpu.memory_space<vmem>>, vector<4096x32xf32>
    %get3A_2 = arith.constant 0 : index
    %get3A_3 = arith.constant 0 : index
    %get3A_4 = vector.load %arg2[%get3A_2, %get3A_3] : memref<64x32xf32, #tpu.memory_space<vmem>>, vector<64x32xf32>
    %dot_general3A = arith.constant dense<0.000000e+00> : vector<4096x64xf32>
    %dot_general3A_5 = tpu.matmul %get3A_1, %get3A_4, %dot_general3A {dimension_numbers = #tpu.dot_dimension_numbers<[1], [1], [0], [0], [0, 0, 1, 0], [], []>, transpose_lhs_hint = false} : vector<4096x32xf32>, vector<64x32xf32>, vector<4096x64xf32> -> vector<4096x64xf32>
    %get3A_6 = arith.constant 0 : index
    %get3A_7 = arith.constant 0 : index
    %get3A_8 = vector.load %arg3[%get3A_6, %get3A_7] : memref<1x64xf32, #tpu.memory_space<vmem>>, vector<1x64xf32>
    %add3A = vector.broadcast %get3A_8 : vector<1x64xf32> to vector<4096x64xf32>
    %add3A_9 = arith.addf %dot_general3A_5, %add3A : vector<4096x64xf32>
    %max3A = arith.constant 0.000000e+00 : f32
    %max3A_10 = vector.broadcast %max3A : f32 to vector<4096x64xf32>
    %max3A_11 = arith.maximumf %add3A_9, %max3A_10 : vector<4096x64xf32>
    %reshape3A = vector.shape_cast %max3A_11 : vector<4096x64xf32> to vector<128x32x64xf32>
    %reduce_max3A = arith.constant dense<0xFF800000> : vector<128x64xf32>
    %reduce_max3A_12 = vector.multi_reduction <maximumf>, %reshape3A, %reduce_max3A [1] : vector<128x32x64xf32> to vector<128x64xf32>
    %swap3A = arith.constant 0 : index
    %swap3A_13 = arith.constant 0 : index
    %swap3A_14 = vector.load %arg4[%swap3A, %swap3A_13] : memref<128x64xf32, #tpu.memory_space<vmem>>, vector<128x64xf32>
    tpu.vector_store %arg4[%swap3A, %swap3A_13], %reduce_max3A_12 {strides = array<i32>} : memref<128x64xf32, #tpu.memory_space<vmem>>, vector<128x64xf32>,
    return
  }
  func.func @transform_0(%arg0: i32) -> (i32, i32) {
    %c0_i32 = arith.constant 0 : i32
    %c0_i32_0 = arith.constant 0 : i32
    return %arg0, %c0_i32 : i32, i32
  }
  func.func @transform_1(%arg0: i32) -> (i32, i32) {
    %c0_i32 = arith.constant 0 : i32
    %c0_i32_0 = arith.constant 0 : i32
    %c0_i32_1 = arith.constant 0 : i32
    return %c0_i32, %c0_i32_0 : i32, i32
  }
  func.func @transform_2(%arg0: i32) -> (i32, i32) {
    %c0_i32 = arith.constant 0 : i32
    %c0_i32_0 = arith.constant 0 : i32
    %c0_i32_1 = arith.constant 0 : i32
    return %c0_i32, %c0_i32_0 : i32, i32
  }
  func.func @transform_3(%arg0: i32) -> (i32, i32) {
    %c0_i32 = arith.constant 0 : i32
    %c0_i32_0 = arith.constant 0 : i32
    return %arg0, %c0_i32 : i32, i32
  }
}

</mosaic_0001>

<sc_bundles>
// kernel: kernel.9.cloned.1.call-start
scs
__scs_entry_jumppad:
0x0: {  	(pc) =	sbr.rel $0x88, $3  }
0x1: {  	(tag) =	ssettag $0x0;
	lr =	simm.s32 $0x1  }
0x2: {  	[smem:$0x3F93] =	sst lr;
	_ =	strace $0xD0000000  }
0x3: {  	_ = 	snop  }
0x4: {  	_ = 	snop  }
0x5: {  	_ = 	snop  }
0x6: {  	_ = 	snop  }
0x7: {  	_ = 	snop  }
__scs_overlays_trampoline_lowered:
0x8: {  	[smem:$0x3FA2] =	sst s0  }
0x9: {  	[smem:$0x3FA3] =	sst s1  }
0xa: {  	[smem:$0x3FA4] =	sst s2  }
0xb: {  	[smem:$0x3FA5] =	sst s3  }
0xc: {  	[smem:$0x3FA6] =	sst s4  }
0xd: {  	[smem:$0x3FA7] =	sst s5  }
0xe: {  	[smem:$0x3FA8] =	sst s6  }
0xf: {  	[smem:$0x3FA9] =	sst s7  }
0x10: {  	[smem:$0x3FAA] =	sst s8  }
0x11: {  	[smem:$0x3FAB] =	sst s9;
	s0 =	simm.s32 @!p0 $0x0  }
0x12: {  	s1 =	sld [smem:$0x3F91];
	s0 =	simm.s32 @p0 $0x1  }
0x13: {  	[smem:$0x3FAC] =	sst s0;
	s0 =	simm.s32 @!p1 $0x0  }
0x14: {  	s2 =	sld [smem:$0x3F90];
	s0 =	simm.s32 @p1 $0x1  }
0x15: {  	[smem:$0x3FAD] =	sst s0;
	s0 =	simm.s32 @!p2 $0x0  }
0x16: {  	s3 =	sld [smem:$0x3FDB];
	s0 =	simm.s32 @p2 $0x1  }
0x17: {  	s4 =	simm.s32 $0x1BF5;
	[smem:$0x3FAF] =	sst s0  }
0x18: {  	s0 =	sld [smem:$0x3F92];
	_ =	swait.ge [sflag:s4], $0x0  }
0x19: {  	s7 =	sld [smem:$0x3F93]  }
0x1a: {  	s8 =	sadd.s32 $0xFFFFE003, lr  }
0x1b: {  	s9 =	sadd.s32 $0xFFFFFEF7, lr;
	s5 =	simm.s32 $0xFFFFFFFF;
	p2 =	slt.u32 s8, $0xFFFFF086  }
0x1c: {  	p1 =	slt.u32 s9, $0xF7A;
	s5 =	simm.s32 @!p2 $0x0  }
0x1d: {  	s5 =	simm.s32 @p1 $0x1;
	p0 =	seq.s32 s7, s2  }
0x1e: {  	s7 =	smul.u32 @!p0 $0xF7A, s2;
	p2 =	seq.s32 @!p0 s5, $0x0  }
0x1f: {  	s9 =	smul.u32 $0xF7A, s1;
	s8 =	simm.s32 @!p0 $0x1BF5;
	p2 =	por !p2, p0  }
0x20: {  	[sflag:s8] =	ssyncset.s32 @!p0 $0xFFFFF086;
	s6 =	sadd.s32 @!p0 s3, s7;
	s7 =	simm.s32 @!p0 $0x108  }
0x21: {  	s3 =	sadd.s32 s3, s9;
	s6 =	sadd.s32 @!p0 $0x88, s6;
	s7 =	simm.s32 @p2 $0x1082  }
0x22: {  	[simem:s7], [sflag:s8] =	dma.local @!p0 [hbm:s6], $0xF7A  }
0x23: {  	s9 =	sor.u32 $0xD0000000, s2;
	s6 =	simm.s32 $0x108;
	_ =	swait.ge @!p0 [sflag:s8], $0x0  }
0x24: {  	s3 =	sadd.s32 $0x88, s3;
	s6 =	simm.s32 @!p1 $0x1082;
	[sflag:s4] =	ssyncset.s32 $0xFFFFF086  }
0x25: {  	[simem:s6], [sflag:s4] =	dma.local [hbm:s3], $0xF7A  }
0x26: {  	[smem:$0x3F93] =	sst s1;
	(tag) =	ssettag s2;
	_ =	strace s9  }
0x27: {  	s1 =	sld [smem:$0x3FA3]  }
0x28: {  	s2 =	sld [smem:$0x3FA4]  }
0x29: {  	s4 =	sld [smem:$0x3FA6]  }
0x2a: {  	p0 =	seq.s32 s5, $0x0;
	s5 =	sld [smem:$0x3FA7]  }
0x2b: {  	s6 =	sld [smem:$0x3FA8]  }
0x2c: {  	s7 =	sld [smem:$0x3FA9]  }
0x2d: {  	s3 =	simm.s32 $0x108;
	s8 =	sld [smem:$0x3FAA]  }
0x2e: {  	s3 =	simm.s32 @!p0 $0x1082;
	s9 =	sld [smem:$0x3FAB]  }
0x2f: {  	lr =	sadd.s32 s0, s3;
	s0 =	sld [smem:$0x3FA2]  }
0x30: {  	s3 =	sld [smem:$0x3FA5]  }
0x31: {  	[smem:$0x3FAE] =	sst s10  }
0x32: {  	s10 =	sld [smem:$0x3FAC];
	_ =	sdelay $0x3  }
0x33: {  	p0 =	seq.s32 s10, $0x1;
	s10 =	sld [smem:$0x3FAE];
	_ =	sdelay $0x3  }
0x34: {  	[smem:$0x3FAE] =	sst s10  }
0x35: {  	s10 =	sld [smem:$0x3FAD];
	_ =	sdelay $0x3  }
0x36: {  	p1 =	seq.s32 s10, $0x1;
	s10 =	sld [smem:$0x3FAE];
	_ =	sdelay $0x3  }
0x37: {  	[smem:$0x3FAE] =	sst s10  }
0x38: {  	s10 =	sld [smem:$0x3FAF]  }
0x39: {  	_ = 	snop;
	(pc) =	sbr.ind lr, $3  }
0x3a: {  	_ = 	snop  }
0x3b: {  	_ = 	snop  }
0x3c: {  	p2 =	seq.s32 s10, $0x1;
	s10 =	sld [smem:$0x3FAE]  }
0x3d: {  	_ =	shalt  }
0x3e: {  	_ =	shalt  }
0x3f: {  	_ =	shalt  }
0x40: {  	_ =	shalt  }
0x41: {  	_ =	shalt  }
0x42: {  	_ =	shalt  }
0x43: {  	_ =	shalt  }
0x44: {  	_ =	shalt  }
0x45: {  	_ =	shalt  }
0x46: {  	_ =	shalt  }
0x47: {  	_ =	shalt  }
0x48: {  	_ =	shalt  }
0x49: {  	_ =	shalt  }
0x4a: {  	_ =	shalt  }
0x4b: {  	_ =	shalt  }
0x4c: {  	_ =	shalt  }
0x4d: {  	_ =	shalt  }
0x4e: {  	_ =	shalt  }
0x4f: {  	_ =	shalt  }
0x50: {  	_ =	shalt  }
0x51: {  	_ =	shalt  }
0x52: {  	_ =	shalt  }
0x53: {  	_ =	shalt  }
0x54: {  	_ =	shalt  }
0x55: {  	_ =	shalt  }
0x56: {  	_ =	shalt  }
0x57: {  	_ =	shalt  }
0x58: {  	_ =	shalt  }
0x59: {  	_ =	shalt  }
0x5a: {  	_ =	shalt  }
0x5b: {  	_ =	shalt  }
0x5c: {  	_ =	shalt  }
0x5d: {  	_ =	shalt  }
0x5e: {  	_ =	shalt  }
0x5f: {  	_ =	shalt  }
0x60: {  	_ =	shalt  }
0x61: {  	_ =	shalt  }
0x62: {  	_ =	shalt  }
0x63: {  	_ =	shalt  }
0x64: {  	_ =	shalt  }
0x65: {  	_ =	shalt  }
0x66: {  	_ =	shalt  }
0x67: {  	_ =	shalt  }
0x68: {  	_ =	shalt  }
0x69: {  	_ =	shalt  }
0x6a: {  	_ =	shalt  }
0x6b: {  	_ =	shalt  }
0x6c: {  	_ =	shalt  }
0x6d: {  	_ =	shalt  }
0x6e: {  	_ =	shalt  }
0x6f: {  	_ =	shalt  }
0x70: {  	_ =	shalt  }
0x71: {  	_ =	shalt  }
0x72: {  	_ =	shalt  }
0x73: {  	_ =	shalt  }
0x74: {  	_ =	shalt  }
0x75: {  	_ =	shalt  }
0x76: {  	_ =	shalt  }
0x77: {  	_ =	shalt  }
0x78: {  	_ =	shalt  }
0x79: {  	_ =	shalt  }
0x7a: {  	_ =	shalt  }
0x7b: {  	_ =	shalt  }
0x7c: {  	_ =	shalt  }
0x7d: {  	_ =	shalt  }
0x7e: {  	_ =	shalt  }
0x7f: {  	_ =	shalt  }
0x80: {  	_ =	shalt  }
0x81: {  	_ =	shalt  }
0x82: {  	_ =	shalt  }
0x83: {  	_ =	shalt  }
0x84: {  	_ =	shalt  }
0x85: {  	_ =	shalt  }
0x86: {  	_ =	shalt  }
0x87: {  	_ =	shalt  }
.Lfunc_end0:
.L_simem_size_0:
called_computation_lowered:
.L_overlay_start_0:
0x88: {  	s2 =	sld [smem:$0x3FD9]  }
0x89: {  	s3 =	sld [smem:$0x3FFE];
	_ =	sdelay $0x1  }
0x8a: {  	s1 =	srdreg.scid  }
0x8b: {  	s0 =	sand.u32 $0x1, s1  }
0x8c: {  	s14 =	sshll.u32 s0, $0xA;
	s2 =	sadd.s32 s3, s2  }
0x8d: {  	s2 =	sadd.s32 s2, s14  }
0x8e: {  	[smem:$0x3FBA] =	sst s2  }
0x8f: {  	_ = 	snop  }
0x90: {  	s2 =	sld [smem:$0x3FD0];
	_ =	sdelay $0x2  }
0x91: {  	s15 =	simm.s32 $0xA;
	s4 =	simm.s32 $0x10  }
0x92: {  	[smem:s4], [sflag:s15] =	dma.local [hbm:s2], $0x1  }
0x93: {  	_ =	swait.eq [sflag:s15], $0x1  }
0x94: {  	[sflag:s15] =	ssyncset.done $0x0  }
0x95: {  	[sflag:s15] =	ssyncadd.s32 $0xFFFFFFFF  }
0x96: {  	s16 =	sld [smem:$0x11];
	(tm) =	ssettm $0x1  }
0x97: {  	s17 =	sld [smem:$0x3FFB];
	_ =	sdelay $0x3  }
0x98: {  	_ =	strace s17  }
0x99: {  	s3 =	sld [smem:$0x3FFC];
	_ =	sdelay $0x3  }
0x9a: {  	_ =	strace s3  }
0x9b: {  	s3 =	sld [smem:$0x3FFD];
	_ =	sdelay $0x3  }
0x9c: {  	_ =	strace s3  }
0x9d: {  	_ =	strace $0x8FFFFFFF  }
0x9e: {  	s18 =	sld [smem:$0x3FDB];
	_ =	sdelay $0x1  }
0x9f: {  	s19 =	simm.s32 $_scs_section_size  }
0xa0: {  	s5 =	simm.s32 $_size__tile_overlayer_lowered;
	s6 =	simm.s32 $_tile_overlayer_lowered  }
0xa1: {  	s22 =	simm.s32 $0x1BFF;
	s21 =	sshll.u32 s6, $0x1;
	s3 =	sadd.s32 s19, s18  }
0xa2: {  	s7 =	simm.s32 $0x0;
	s20 =	sshll.u32 s5, $0x1;
	s5 =	sadd.s32 s21, s3  }
0xa3: {  	[timem:s7], [sflag:s22] =	dma.local [hbm:s5], s20  }
0xa4: {  	_ =	swait.ge [sflag:s22], s20  }
0xa5: {  	s4 =	ssub.s32 $0x0, s20;
	[sflag:s22] =	ssyncset.done $0x0  }
0xa6: {  	[sflag:s22] =	ssyncadd.s32 s4;
	_ =	sdelay $0x1  }
0xa7: {  	s23 =	simm.s32 $0x1B8B  }
0xa8: {  	_ =	swait.ge [sflag:s23], $0x1  }
0xa9: {  	[sflag:s23] =	ssyncset.done $0x0  }
0xaa: {  	s25 =	simm.s32 $0x1B8E;
	s24 =	sld [smem:$0x3FFE];
	[sflag:s23] =	ssyncadd.s32 $0xFFFFFFFF  }
0xab: {  	s26 =	simm.s32 $execute0_lowered;
	[smem:$0x3FD2] =	sst s25  }
0xac: {  	s5 =	sshll.u32 s26, $0x1;
	_ =	strace $0x80000046;
	[dreg:$0x1] =	wrdreg $0xFFFFFFFF  }
0xad: {  	s28 =	simm.s32 $_size_execute0_lowered;
	s3 =	sadd.s32 s3, s5;
	[dreg:$0x0] =	wrdreg $0x0  }
0xae: {  	s5 =	sshll.u32 s28, $0x1;
	[dreg:$0x2] =	wrdreg s3  }
0xaf: {  	[dreg:$0x3] =	wrdreg s5  }
0xb0: {  	[dreg:$0x4] =	wrdreg $0xC0  }
0xb1: {  	_ =	task [dreg:s7], $0x5FFFF  }
0xb2: {  	[dreg:$0x1] =	wrdreg $0xFFFFFFFF  }
0xb3: {  	[dreg:$0x0] =	wrdreg $0x60  }
0xb4: {  	[dreg:$0x2] =	wrdreg s24  }
0xb5: {  	[dreg:$0x3] =	wrdreg s16  }
0xb6: {  	[dreg:$0x4] =	wrdreg $0x9  }
0xb7: {  	_ =	task.clear_ibuf [dreg:s7], $0x5FFFF;
	_ =	strace $0x90000046  }
0xb8: {  	s29 =	simm.s32 $0x9;
	_ =	strace $0x80000048  }
0xb9: {  	_ =	swait.ge [sflag:s29], $0x1  }
0xba: {  	[sflag:s29] =	ssyncadd.s32 $0xFFFFFFFF  }
0xbb: {  	_ =	strace $0x90000048  }
0xbc: {  	_ =	sfence  }
0xbd: {  	s30 =	sld [smem:$0x0];
	_ =	sdelay $0x2  }
0xbe: {  	s31 =	sshll.u32 s1, $0xD;
	s1 =	sshrl.u32 s1, $0x2  }
0xbf: {  	s3 =	sand.u32 $0x4000, s31;
	s1 =	sadd.s32 s1, s30  }
0xc0: {  	s0 =	sor.u32 s3, s0;
	s1 =	sshll.u32 s1, $0x11  }
0xc1: {  	s0 =	sor.u32 s1, s0  }
0xc2: {  	s0 =	sadd.s32 $0x8F2B, s0  }
0xc3: {  	[sflag:s0] =	ssyncadd.remote.s32 $0x1  }
0xc4: {  	_ =	sfence.sel $0xFFFF  }
0xc5: {  	[dreg:$0x0] =	wrdreg $0xFFFFFFFF;
	(pc) =	sbr.abs _section_cstart, $3  }
0xc6: {  	[dreg:$0x1] =	wrdreg $0xFFFFFFFF  }
0xc7: {  	_ =	task.clear_ibuf [dreg:s7], $0x2FFFF;
	_ =	strace $0x9FFFFFFF  }
0xc8: {  	(tm) =	ssettm $0x7FFFFFFF  }
0xc9: {  	_ =	shalt  }
tec
execute0_lowered:
.L_overlay_start_1:
0x0: {  	(tag) =	ssettag $0x1  }
0x1: {  	s4 =	rddreg [dreg:$0x0]  }
0x2: {  	s6 =	rddreg [dreg:$0x1]  }
0x3: {  	s0 =	rddreg [dreg:$0x2];
	s2 =	simm.s32 $0x0;
	s1 =	stileid.u32  }
0x4: {  	s3 =	srdreg.scid;
	[smem:$0x7FF] =	sst s2  }
0x5: {  	s5 =	sshll.u32 s1, $0xF;
	s7 =	sand.u32 $0x1, s3;
	s3 =	sadd.s32 $0x1C00, s4  }
0x6: {  	s9 =	sshll.u32 s1, $0xD;
	_ =	strace $0x80000047;
	s5 =	sadd.s32 s5, s4  }
0x7: {  	s29 =	ssub.s32 $0x2, s7;
	s10 =	sshll.u32 s7, $0xC;
	s7 =	sshll.u32 s7, $0xE  }
0x8: {  	s8 =	sshrl.u32 s29, $0x1;
	s30 =	sor.u32 s10, s9;
	s5 =	sadd.s32 s7, s5  }
0x9: {  	s7 =	simm.s32 $0x2;
	s9 =	simm.s32 $0x1;
	s10 =	simm.s32 $0x0  }
0xa: {  	s4 =	ssub.s32 s29, s8;
	s31 =	sshrl.u32 s30, $0x3;
	s5 =	sadd.s32 $0x21C00, s5  }
0xb: {  	s8 =	simm.s32 $0x80;
	s4 =	smax.u32 s4, $0x1;
	s6 =	sadd.s32 s31, s6  }
.LBB2_1:
0xc: {  	s11 =	sadd.s32 $0x0, s6  }
0xd: {  	[tilespmem:s2], [sflag:$0x2] =	stream.linear.gather [hbm4b:s11+s2], $0x80, $0x38;
	[tilespmem:$0x1080] =	vst v63  }
0xe: {  	_ =	swait.ge [sflag:s7], $0x80  }
0xf: {  	[sflag:s7] =	ssyncset.done $0x0  }
0x10: {  	[sflag:s7] =	ssyncadd.s32 $0xFFFFFF80  }
0x11: {  	[tilespmem:s8], [sflag:$0x1] =	stream.indirect.gather [hbm4b:s3+s8], $0x20, s2, s8, $0xb8;
	[tilespmem:$0x1080] =	vst v63  }
0x12: {  	_ =	swait.ge [sflag:s9], $0x1000  }
0x13: {  	[sflag:s9] =	ssyncset.done $0x0  }
0x14: {  	[sflag:s9] =	ssyncadd.s32 $0xFFFFF000  }
0x15: {  	[hbm4b:s5+s2] =	stream.linear.scatter [tilespmem:s8], [sflag:$0x2], $0x1000, $0x38;
	[tilespmem:$0x1080] =	vst v63  }
0x16: {  	s12 =	simm.s32 $0x10;
	_ =	swait.ge [sflag:s7], $0x1000  }
0x17: {  	s13 =	simm.s32 $0x20;
	s11 =	sadd.s32 $0x200, s5;
	[sflag:s7] =	ssyncset.done $0x0  }
.LBB2_2:
0x18: {  	s14 =	sadd.s32 s12, s6  }
0x19: {  	[sflag:s7] =	ssyncadd.s32 $0xFFFFF000;
	s12 =	smov.u32 s13;
	s15 =	sadd.s32 $0x10, s13  }
0x1a: {  	[tilespmem:s2], [sflag:$0x2] =	stream.linear.gather [hbm4b:s14+s2], $0x80, $0x38;
	[tilespmem:$0x1080] =	vst v63  }
0x1b: {  	p0 =	sne.s32 s13, $0x1F0;
	_ =	swait.ge [sflag:s7], $0x80  }
0x1c: {  	[sflag:s7] =	ssyncset.done $0x0  }
0x1d: {  	[sflag:s7] =	ssyncadd.s32 $0xFFFFFF80  }
0x1e: {  	[tilespmem:s8], [sflag:$0x1] =	stream.indirect.gather [hbm4b:s3+s8], $0x20, s2, s8, $0xb8;
	[tilespmem:$0x1080] =	vst v63  }
0x1f: {  	_ =	swait.ge [sflag:s9], $0x1000  }
.Ltmp0:
0x20: {  	[sflag:s9] =	ssyncset.done $0x0;
	(pc) =	sbr.rel @p0 .LBB2_2-.Ltmp0, $4  }
0x21: {  	[sflag:s9] =	ssyncadd.s32 $0xFFFFF000  }
0x22: {  	[hbm4b:s11+s2] =	stream.linear.scatter [tilespmem:s8], [sflag:$0x2], $0x1000, $0x38;
	[tilespmem:$0x1080] =	vst v63  }
0x23: {  	_ =	swait.ge [sflag:s7], $0x1000  }
0x24: {  	s13 =	smov.u32 s15;
	s11 =	sadd.s32 $0x200, s11;
	[sflag:s7] =	ssyncset.done $0x0  }
0x25: {  	s12 =	sadd.s32 s12, s6;
	[sflag:s7] =	ssyncadd.s32 $0xFFFFF000  }
0x26: {  	[tilespmem:s2], [sflag:$0x2] =	stream.linear.gather [hbm4b:s12+s2], $0x80, $0x38;
	[tilespmem:$0x1080] =	vst v63  }
0x27: {  	_ =	swait.ge [sflag:s7], $0x80  }
0x28: {  	[sflag:s7] =	ssyncset.done $0x0  }
0x29: {  	[sflag:s7] =	ssyncadd.s32 $0xFFFFFF80  }
0x2a: {  	[tilespmem:s8], [sflag:$0x1] =	stream.indirect.gather [hbm4b:s3+s8], $0x20, s2, s8, $0xb8;
	[tilespmem:$0x1080] =	vst v63  }
0x2b: {  	s10 =	sadd.s32 $0x1, s10;
	_ =	swait.ge [sflag:s9], $0x1000  }
0x2c: {  	p0 =	sne.s32 s10, s4;
	[sflag:s9] =	ssyncset.done $0x0  }
.Ltmp1:
0x2d: {  	[sflag:s9] =	ssyncadd.s32 $0xFFFFF000;
	(pc) =	sbr.rel @p0 .LBB2_1-.Ltmp1, $4  }
0x2e: {  	[hbm4b:s11+s2] =	stream.linear.scatter [tilespmem:s8], [sflag:$0x2], $0x1000, $0x38;
	[tilespmem:$0x1080] =	vst v63  }
0x2f: {  	_ =	swait.ge [sflag:s7], $0x1000  }
0x30: {  	[sflag:s7] =	ssyncset.done $0x0  }
0x31: {  	[sflag:s7] =	ssyncadd.s32 $0xFFFFF000  }
0x32: {  	_ =	sfence.sel $0x180000  }
0x33: {  	[bflag:$0x0] =	sbarrier.arrive $0xFFFF  }
0x34: {  	p0 =	sne.s32 s1, $0x0;
	_ =	strace $0x90000047  }
0x35: {  	s0 =	sadd.s32 @!p0 $0x100000, s0;
	[bflag:$0x2] =	sbarrier.arrive $0xFFFF  }
0x36: {  	[sflag:s0] =	ssyncadd.tile.s32 @!p0 $0x1;
	_ =	shalt  }
.Lfunc_end2:
_tile_overlayer_lowered:
.L_overlay_start_2:
0x37: {  	(tag) =	ssettag $0x2  }
0x38: {  	s0 =	rddreg [dreg:$0x0];
	s2 =	stileid.u32  }
0x39: {  	s1 =	rddreg [dreg:$0x1];
	p0 =	sne.s32 s2, $0x0  }
0x3a: {  	s3 =	rddreg [dreg:$0x2];
	[bflag:$0x3] =	sbarrier.arrive $0xFFFF;
	s2 =	simm.s32 @!p0 $0x1C02  }
0x3b: {  	[timem:s3], [sflag:s2] =	dma.local @!p0 [hbm:s0], s1  }
0x3c: {  	s0 =	simm.s32 @!p0 $0x2  }
0x3d: {  	_ =	swait.ge @!p0 [sflag:s0], s1  }
0x3e: {  	s1 =	ssub.s32 @!p0 $0x0, s1;
	[sflag:s0] =	ssyncset.done @!p0 $0x0  }
0x3f: {  	[sflag:s0] =	ssyncadd.s32 @!p0 s1  }
0x40: {  	[bflag:$0x3] =	sbarrier.arrive $0xFFFF  }
0x41: {  	_ =	shalt  }

</sc_bundles>
